<compile_context>
chip_gen: v7x
topology: tpu7x:2x2x1
jax: 0.10.2.dev20260603
libtpu: 0.0.44.dev20260713+nightly
codegen_flags: <defaults>
</compile_context>

<pallas_src>
import functools

import jax
import jax.numpy as jnp
from jax import lax
from jax.experimental import pallas as pl
from jax.experimental.pallas import tpu as pltpu
from jax.experimental.pallas import tpu_sc as plsc

_EMB_DIM = 1000000
_OUT_DIM = 32
_N_ROWS = 16384
_N_COLS = 200
_B = _N_ROWS * _N_COLS
_IW = 128
_B2 = _B // _IW
_NC = 2
_NS = 16
_NW = _NC * _NS
_RPW = _B2 // _NW
_K = 8
_CHUNKS = _RPW // _K


def _idx_body_t(xT_ref, o_ref):
    xT = xT_ref[...]
    acc = xT[0:8, :]
    for k in range(1, 25):
        acc = acc + xT[8 * k:8 * k + 8, :]
    t1 = acc[0:4, :] + acc[4:8, :]
    t2 = t1[0:2, :] + t1[2:4, :]
    s = t2[0:1, :] + t2[1:2, :]
    idxT = ((xT / s) * float(_EMB_DIM - 1)).astype(jnp.int32)
    t1 = idxT.T
    perm = t1.reshape(4, _N_ROWS // 4, _N_COLS).transpose(1, 0, 2).reshape(
        _N_ROWS, _N_COLS)
    o_ref[...] = perm.T


def _compute_idx_t(x):
    return pl.pallas_call(
        _idx_body_t,
        grid=(1,),
        in_specs=[pl.BlockSpec((_N_COLS, _N_ROWS), lambda i: (0, 0))],
        out_specs=pl.BlockSpec((_N_COLS, _N_ROWS), lambda i: (0, 0)),
        out_shape=jax.ShapeDtypeStruct((_N_COLS, _N_ROWS), jnp.int32),
    )(x.T)


_LBLK = 8192


def _ln_body_t(tT_ref, g_ref, b_ref, o_ref):
    t = tT_ref[...]
    mean = jnp.mean(t, axis=0, keepdims=True)
    var = jnp.mean(jnp.square(t - mean), axis=0, keepdims=True)
    normed = (t - mean) / jnp.sqrt(var + 1e-5)
    out = normed * g_ref[...] + b_ref[...]
    o_ref[...] = out.T


def _norm_table(table, gamma, beta):
    grid = (_EMB_DIM + _LBLK - 1) // _LBLK
    return pl.pallas_call(
        _ln_body_t,
        grid=(grid,),
        in_specs=[
            pl.BlockSpec((_OUT_DIM, _LBLK), lambda i: (0, i)),
            pl.BlockSpec((_OUT_DIM, 1), lambda i: (0, 0)),
            pl.BlockSpec((_OUT_DIM, 1), lambda i: (0, 0)),
        ],
        out_specs=pl.BlockSpec((_LBLK, _OUT_DIM), lambda i: (i, 0)),
        out_shape=jax.ShapeDtypeStruct((_EMB_DIM, _OUT_DIM), jnp.float32),
    )(table.T, gamma.reshape(_OUT_DIM, 1), beta.reshape(_OUT_DIM, 1))


def _gather_body(tbl_hbm, idx_hbm, out_hbm, idx_v, rows_v, gsem):
    c = lax.axis_index("c")
    s = lax.axis_index("s")
    wid = s * _NC + c
    base = wid * _RPW

    def chunk(g, carry):
        r0 = base + g * _K
        pltpu.sync_copy(idx_hbm.at[pl.ds(r0, _K)], idx_v)
        copies = [
            pltpu.async_copy(tbl_hbm.at[idx_v.at[j]], rows_v.at[j], gsem)
            for j in range(_K)
        ]
        for cp in copies:
            cp.wait()
        pltpu.sync_copy(rows_v, out_hbm.at[pl.ds(r0, _K)])
        return carry

    lax.fori_loop(0, _CHUNKS, chunk, 0)


def _gather(ntable, idx2d):
    mesh = plsc.VectorSubcoreMesh(core_axis_name="c", subcore_axis_name="s")
    fn = pl.kernel(
        _gather_body,
        mesh=mesh,
        out_type=jax.ShapeDtypeStruct((_B2, _IW, _OUT_DIM), jnp.float32),
        scratch_types=[
            pltpu.VMEM((_K, _IW), jnp.int32),
            pltpu.VMEM((_K, _IW, _OUT_DIM), jnp.float32),
            pltpu.SemaphoreType.DMA,
        ],
        compiler_params=pltpu.CompilerParams(use_tc_tiling_on_sc=False),
    )
    return fn(ntable, idx2d)


_FBLK = 16384
_FPJ = _N_ROWS // _FBLK


_FROWS = _FBLK * _OUT_DIM // 128


def _fin_body(g_ref, o_ref):
    v = g_ref[...]
    w = v.T
    o_ref[...] = w.reshape(4, _OUT_DIM, _FROWS).transpose(1, 0, 2).reshape(
        _OUT_DIM, _FBLK)[None]


def _finalize(g2d):
    return pl.pallas_call(
        _fin_body,
        grid=(_N_COLS * _FPJ,),
        in_specs=[pl.BlockSpec((_FROWS, 128), lambda b: (b, 0))],
        out_specs=pl.BlockSpec(
            (1, _OUT_DIM, _FBLK), lambda b: (b // _FPJ, 0, b % _FPJ)),
        out_shape=jax.ShapeDtypeStruct((_N_COLS, _OUT_DIM, _N_ROWS),
                                       jnp.float32),
    )(g2d)


def kernel(x, table, ln_gamma, ln_beta):
    idx_p = _compute_idx_t(x).reshape(_B2, _IW)
    ntable = _norm_table(table, ln_gamma, ln_beta)
    gathered = _gather(ntable, idx_p)
    out = _finalize(gathered.reshape(_B * _OUT_DIM // 128, 128))
    return out.transpose(2, 0, 1)

# --- scband reference (transcript-rebuilt; emitter-appended) ---
"""Pipeline reference for scband-gene-embedor-46694884442262 (READ-ONLY COPY).

The authoritative reference and input builder live on the scoring server;
editing this copy changes nothing except your own understanding.
"""

import jax, jax.numpy as jnp
import numpy as np

EMB_DIM = 1000000
OUT_DIM = 32

def setup_inputs(seed: int = 0) -> dict:
    key = jax.random.key(seed)
    k1, k2 = jax.random.split(key)
    x = jax.random.uniform(k1, (16384, 200), dtype=jnp.float32)
    table = jax.random.normal(k2, (EMB_DIM, OUT_DIM), dtype=jnp.float32)
    ln_gamma = jnp.ones((OUT_DIM,), dtype=jnp.float32)
    ln_beta = jnp.zeros((OUT_DIM,), dtype=jnp.float32)
    return {"x": x, "table": table, "ln_gamma": ln_gamma, "ln_beta": ln_beta}

def reference(x, table, ln_gamma, ln_beta):
    row_sums = jnp.sum(x, axis=1, keepdims=True)
    x_norm = (x / row_sums) * (EMB_DIM - 1)
    idx = x_norm.astype(jnp.int32)
    emb = jnp.take(table, idx, axis=0)
    mean = jnp.mean(emb, axis=-1, keepdims=True)
    var = jnp.var(emb, axis=-1, keepdims=True)
    normed = (emb - mean) / jnp.sqrt(var + 1e-5)
    return normed * ln_gamma + ln_beta

if __name__ == "__main__":
    import jax
    _d = setup_inputs()
    print(jax.jit(kernel)(*tuple(_d.values())))

</pallas_src>

<mosaic_0001>
#map = affine_map<(d0, d1) -> (0, 0)>
#map1 = affine_map<(d0, d1) -> (0, 0, 0)>
module attributes {stable_mosaic.version = 14 : i64} {
  func.func @_gather_body(%arg0: i32, %arg1: i32, %arg2: memref<1000000x32xf32, #tpu.memory_space<hbm>>, %arg3: memref<25600x128xi32, #tpu.memory_space<hbm>>, %arg4: memref<25600x128x32xf32, #tpu.memory_space<hbm>>, %arg5: memref<8x128xi32, #tpu.memory_space<vmem>>, %arg6: memref<8x128x32xf32, #tpu.memory_space<vmem>>, %arg7: memref<!tpu.dma_semaphore, #tpu.memory_space<semaphore_mem>>) attributes {dimension_semantics = [#tpu.dimension_semantics<core_parallel>, #tpu.dimension_semantics<subcore_parallel>], iteration_bounds = array<i64: 2, 16>, scalar_prefetch = 0 : i64, scratch_operands = 3 : i64, tpu.core_type = #tpu.core_type<sc_vector_subcore>, window_params = [{transform_indices = #map}, {transform_indices = #map}, {transform_indices = #map1}]} {
    %mul3A = arith.constant 2 : i32
    %mul3A_0 = arith.muli %arg1, %mul3A : i32
    %add3A = arith.addi %mul3A_0, %arg0 : i32
    %mul3A_1 = arith.constant 800 : i32
    %mul3A_2 = arith.muli %add3A, %mul3A_1 : i32
    %scan3A = arith.constant 0 : i32
    %scan3A_3 = arith.constant 0 : i32
    %scan3A_4 = arith.constant 100 : i32
    %scan3A_5 = arith.addi %scan3A_3, %scan3A_4 : i32
    %scan3A_6 = arith.constant 1 : i32
    scf.for %scan3A_8 = %scan3A_3 to %scan3A_5 step %scan3A_6  : i32 {
      %mul3A_9 = arith.constant 8 : i32
      %mul3A_10 = arith.muli %scan3A_8, %mul3A_9 : i32
      %add3A_11 = arith.addi %mul3A_2, %mul3A_10 : i32
      "tpu.region"() ({
        %run_scoped3A = tpu.sem_alloc : memref<!tpu.dma_semaphore, #tpu.memory_space<semaphore_mem>>
        %dma_start3A_202 = arith.constant 0 : i32
        %dma_start3A_203 = tpu.memref_slice %arg3[%add3A_11, %dma_start3A_202] : memref<25600x128xi32, #tpu.memory_space<hbm>> -> memref<8x128xi32, #tpu.memory_space<hbm>>
        %dma_start3A_204 = arith.constant 0 : i32
        %dma_start3A_205 = tpu.memref_slice %arg3[%add3A_11, %dma_start3A_204] : memref<25600x128xi32, #tpu.memory_space<hbm>> -> memref<8x128xi32, #tpu.memory_space<hbm>>
        tpu.enqueue_dma source(%dma_start3A_205 : memref<8x128xi32, #tpu.memory_space<hbm>>) target(%arg5 : memref<8x128xi32, #tpu.memory_space<vmem>>) target_semaphore(%run_scoped3A : memref<!tpu.dma_semaphore, #tpu.memory_space<semaphore_mem>>)
        %dma_wait3A_206 = arith.constant 0 : i32
        %dma_wait3A_207 = tpu.memref_slice %arg3[%add3A_11, %dma_wait3A_206] : memref<25600x128xi32, #tpu.memory_space<hbm>> -> memref<8x128xi32, #tpu.memory_space<hbm>>
        %dma_wait3A_208 = arith.constant 0 : i32
        %dma_wait3A_209 = tpu.memref_slice %arg3[%add3A_11, %dma_wait3A_208] : memref<25600x128xi32, #tpu.memory_space<hbm>> -> memref<8x128xi32, #tpu.memory_space<hbm>>
        tpu.wait_dma2 semaphore(%run_scoped3A : memref<!tpu.dma_semaphore, #tpu.memory_space<semaphore_mem>>) src(%dma_wait3A_209 : memref<8x128xi32, #tpu.memory_space<hbm>>) dst(%arg5 : memref<8x128xi32, #tpu.memory_space<vmem>>)
        tpu.yield
      }) : () -> ()
      %dma_start3A = arith.constant 0 : i32
      %dma_start3A_12 = arith.constant 0 : i32
      %dma_start3A_13 = arith.constant 0 : i32
      %dma_start3A_14 = arith.constant 0 : i32
      %dma_start3A_15 = tpu.memref_slice %arg6[%dma_start3A_12, %dma_start3A_13, %dma_start3A_14] : memref<8x128x32xf32, #tpu.memory_space<vmem>> -> memref<1x128x32xf32, #tpu.memory_space<vmem>>
      %dma_start3A_16 = tpu.memref_squeeze %dma_start3A_15 : memref<1x128x32xf32, #tpu.memory_space<vmem>> -> memref<128x32xf32, #tpu.memory_space<vmem>>
      %dma_start3A_17 = arith.constant 0 : i32
      %dma_start3A_18 = tpu.memref_slice %arg5[%dma_start3A, %dma_start3A_17] : memref<8x128xi32, #tpu.memory_space<vmem>> -> memref<1x128xi32, #tpu.memory_space<vmem>>
      %dma_start3A_19 = tpu.memref_squeeze %dma_start3A_18 : memref<1x128xi32, #tpu.memory_space<vmem>> -> memref<128xi32, #tpu.memory_space<vmem>>
      %dma_start3A_20 = arith.constant 0 : i32
      %dma_start3A_21 = arith.constant 0 : i32
      %dma_start3A_22 = tpu.memref_slice %arg2[%dma_start3A_20, %dma_start3A_21] : memref<1000000x32xf32, #tpu.memory_space<hbm>> -> memref<1000000x32xf32, #tpu.memory_space<hbm>>
      tpu.enqueue_indirect_dma source(%dma_start3A_22 : memref<1000000x32xf32, #tpu.memory_space<hbm>>) target(%dma_start3A_16 : memref<128x32xf32, #tpu.memory_space<vmem>>) offsets(%dma_start3A_19 : memref<128xi32, #tpu.memory_space<vmem>>) semaphore(%arg7 : memref<!tpu.dma_semaphore, #tpu.memory_space<semaphore_mem>>)
      %dma_start3A_23 = arith.constant 1 : i32
      %dma_start3A_24 = arith.constant 1 : i32
      %dma_start3A_25 = arith.constant 0 : i32
      %dma_start3A_26 = arith.constant 0 : i32
      %dma_start3A_27 = tpu.memref_slice %arg6[%dma_start3A_24, %dma_start3A_25, %dma_start3A_26] : memref<8x128x32xf32, #tpu.memory_space<vmem>> -> memref<1x128x32xf32, #tpu.memory_space<vmem>>
      %dma_start3A_28 = tpu.memref_squeeze %dma_start3A_27 : memref<1x128x32xf32, #tpu.memory_space<vmem>> -> memref<128x32xf32, #tpu.memory_space<vmem>>
      %dma_start3A_29 = arith.constant 0 : i32
      %dma_start3A_30 = tpu.memref_slice %arg5[%dma_start3A_23, %dma_start3A_29] : memref<8x128xi32, #tpu.memory_space<vmem>> -> memref<1x128xi32, #tpu.memory_space<vmem>>
      %dma_start3A_31 = tpu.memref_squeeze %dma_start3A_30 : memref<1x128xi32, #tpu.memory_space<vmem>> -> memref<128xi32, #tpu.memory_space<vmem>>
      %dma_start3A_32 = arith.constant 0 : i32
      %dma_start3A_33 = arith.constant 0 : i32
      %dma_start3A_34 = tpu.memref_slice %arg2[%dma_start3A_32, %dma_start3A_33] : memref<1000000x32xf32, #tpu.memory_space<hbm>> -> memref<1000000x32xf32, #tpu.memory_space<hbm>>
      tpu.enqueue_indirect_dma source(%dma_start3A_34 : memref<1000000x32xf32, #tpu.memory_space<hbm>>) target(%dma_start3A_28 : memref<128x32xf32, #tpu.memory_space<vmem>>) offsets(%dma_start3A_31 : memref<128xi32, #tpu.memory_space<vmem>>) semaphore(%arg7 : memref<!tpu.dma_semaphore, #tpu.memory_space<semaphore_mem>>)
      %dma_start3A_35 = arith.constant 2 : i32
      %dma_start3A_36 = arith.constant 2 : i32
      %dma_start3A_37 = arith.constant 0 : i32
      %dma_start3A_38 = arith.constant 0 : i32
      %dma_start3A_39 = tpu.memref_slice %arg6[%dma_start3A_36, %dma_start3A_37, %dma_start3A_38] : memref<8x128x32xf32, #tpu.memory_space<vmem>> -> memref<1x128x32xf32, #tpu.memory_space<vmem>>
      %dma_start3A_40 = tpu.memref_squeeze %dma_start3A_39 : memref<1x128x32xf32, #tpu.memory_space<vmem>> -> memref<128x32xf32, #tpu.memory_space<vmem>>
      %dma_start3A_41 = arith.constant 0 : i32
      %dma_start3A_42 = tpu.memref_slice %arg5[%dma_start3A_35, %dma_start3A_41] : memref<8x128xi32, #tpu.memory_space<vmem>> -> memref<1x128xi32, #tpu.memory_space<vmem>>
      %dma_start3A_43 = tpu.memref_squeeze %dma_start3A_42 : memref<1x128xi32, #tpu.memory_space<vmem>> -> memref<128xi32, #tpu.memory_space<vmem>>
      %dma_start3A_44 = arith.constant 0 : i32
      %dma_start3A_45 = arith.constant 0 : i32
      %dma_start3A_46 = tpu.memref_slice %arg2[%dma_start3A_44, %dma_start3A_45] : memref<1000000x32xf32, #tpu.memory_space<hbm>> -> memref<1000000x32xf32, #tpu.memory_space<hbm>>
      tpu.enqueue_indirect_dma source(%dma_start3A_46 : memref<1000000x32xf32, #tpu.memory_space<hbm>>) target(%dma_start3A_40 : memref<128x32xf32, #tpu.memory_space<vmem>>) offsets(%dma_start3A_43 : memref<128xi32, #tpu.memory_space<vmem>>) semaphore(%arg7 : memref<!tpu.dma_semaphore, #tpu.memory_space<semaphore_mem>>)
      %dma_start3A_47 = arith.constant 3 : i32
      %dma_start3A_48 = arith.constant 3 : i32
      %dma_start3A_49 = arith.constant 0 : i32
      %dma_start3A_50 = arith.constant 0 : i32
      %dma_start3A_51 = tpu.memref_slice %arg6[%dma_start3A_48, %dma_start3A_49, %dma_start3A_50] : memref<8x128x32xf32, #tpu.memory_space<vmem>> -> memref<1x128x32xf32, #tpu.memory_space<vmem>>
      %dma_start3A_52 = tpu.memref_squeeze %dma_start3A_51 : memref<1x128x32xf32, #tpu.memory_space<vmem>> -> memref<128x32xf32, #tpu.memory_space<vmem>>
      %dma_start3A_53 = arith.constant 0 : i32
      %dma_start3A_54 = tpu.memref_slice %arg5[%dma_start3A_47, %dma_start3A_53] : memref<8x128xi32, #tpu.memory_space<vmem>> -> memref<1x128xi32, #tpu.memory_space<vmem>>
      %dma_start3A_55 = tpu.memref_squeeze %dma_start3A_54 : memref<1x128xi32, #tpu.memory_space<vmem>> -> memref<128xi32, #tpu.memory_space<vmem>>
      %dma_start3A_56 = arith.constant 0 : i32
      %dma_start3A_57 = arith.constant 0 : i32
      %dma_start3A_58 = tpu.memref_slice %arg2[%dma_start3A_56, %dma_start3A_57] : memref<1000000x32xf32, #tpu.memory_space<hbm>> -> memref<1000000x32xf32, #tpu.memory_space<hbm>>
      tpu.enqueue_indirect_dma source(%dma_start3A_58 : memref<1000000x32xf32, #tpu.memory_space<hbm>>) target(%dma_start3A_52 : memref<128x32xf32, #tpu.memory_space<vmem>>) offsets(%dma_start3A_55 : memref<128xi32, #tpu.memory_space<vmem>>) semaphore(%arg7 : memref<!tpu.dma_semaphore, #tpu.memory_space<semaphore_mem>>)
      %dma_start3A_59 = arith.constant 4 : i32
      %dma_start3A_60 = arith.constant 4 : i32
      %dma_start3A_61 = arith.constant 0 : i32
      %dma_start3A_62 = arith.constant 0 : i32
      %dma_start3A_63 = tpu.memref_slice %arg6[%dma_start3A_60, %dma_start3A_61, %dma_start3A_62] : memref<8x128x32xf32, #tpu.memory_space<vmem>> -> memref<1x128x32xf32, #tpu.memory_space<vmem>>
      %dma_start3A_64 = tpu.memref_squeeze %dma_start3A_63 : memref<1x128x32xf32, #tpu.memory_space<vmem>> -> memref<128x32xf32, #tpu.memory_space<vmem>>
      %dma_start3A_65 = arith.constant 0 : i32
      %dma_start3A_66 = tpu.memref_slice %arg5[%dma_start3A_59, %dma_start3A_65] : memref<8x128xi32, #tpu.memory_space<vmem>> -> memref<1x128xi32, #tpu.memory_space<vmem>>
      %dma_start3A_67 = tpu.memref_squeeze %dma_start3A_66 : memref<1x128xi32, #tpu.memory_space<vmem>> -> memref<128xi32, #tpu.memory_space<vmem>>
      %dma_start3A_68 = arith.constant 0 : i32
      %dma_start3A_69 = arith.constant 0 : i32
      %dma_start3A_70 = tpu.memref_slice %arg2[%dma_start3A_68, %dma_start3A_69] : memref<1000000x32xf32, #tpu.memory_space<hbm>> -> memref<1000000x32xf32, #tpu.memory_space<hbm>>
      tpu.enqueue_indirect_dma source(%dma_start3A_70 : memref<1000000x32xf32, #tpu.memory_space<hbm>>) target(%dma_start3A_64 : memref<128x32xf32, #tpu.memory_space<vmem>>) offsets(%dma_start3A_67 : memref<128xi32, #tpu.memory_space<vmem>>) semaphore(%arg7 : memref<!tpu.dma_semaphore, #tpu.memory_space<semaphore_mem>>)
      %dma_start3A_71 = arith.constant 5 : i32
      %dma_start3A_72 = arith.constant 5 : i32
      %dma_start3A_73 = arith.constant 0 : i32
      %dma_start3A_74 = arith.constant 0 : i32
      %dma_start3A_75 = tpu.memref_slice %arg6[%dma_start3A_72, %dma_start3A_73, %dma_start3A_74] : memref<8x128x32xf32, #tpu.memory_space<vmem>> -> memref<1x128x32xf32, #tpu.memory_space<vmem>>
      %dma_start3A_76 = tpu.memref_squeeze %dma_start3A_75 : memref<1x128x32xf32, #tpu.memory_space<vmem>> -> memref<128x32xf32, #tpu.memory_space<vmem>>
      %dma_start3A_77 = arith.constant 0 : i32
      %dma_start3A_78 = tpu.memref_slice %arg5[%dma_start3A_71, %dma_start3A_77] : memref<8x128xi32, #tpu.memory_space<vmem>> -> memref<1x128xi32, #tpu.memory_space<vmem>>
      %dma_start3A_79 = tpu.memref_squeeze %dma_start3A_78 : memref<1x128xi32, #tpu.memory_space<vmem>> -> memref<128xi32, #tpu.memory_space<vmem>>
      %dma_start3A_80 = arith.constant 0 : i32
      %dma_start3A_81 = arith.constant 0 : i32
      %dma_start3A_82 = tpu.memref_slice %arg2[%dma_start3A_80, %dma_start3A_81] : memref<1000000x32xf32, #tpu.memory_space<hbm>> -> memref<1000000x32xf32, #tpu.memory_space<hbm>>
      tpu.enqueue_indirect_dma source(%dma_start3A_82 : memref<1000000x32xf32, #tpu.memory_space<hbm>>) target(%dma_start3A_76 : memref<128x32xf32, #tpu.memory_space<vmem>>) offsets(%dma_start3A_79 : memref<128xi32, #tpu.memory_space<vmem>>) semaphore(%arg7 : memref<!tpu.dma_semaphore, #tpu.memory_space<semaphore_mem>>)
      %dma_start3A_83 = arith.constant 6 : i32
      %dma_start3A_84 = arith.constant 6 : i32
      %dma_start3A_85 = arith.constant 0 : i32
      %dma_start3A_86 = arith.constant 0 : i32
      %dma_start3A_87 = tpu.memref_slice %arg6[%dma_start3A_84, %dma_start3A_85, %dma_start3A_86] : memref<8x128x32xf32, #tpu.memory_space<vmem>> -> memref<1x128x32xf32, #tpu.memory_space<vmem>>
      %dma_start3A_88 = tpu.memref_squeeze %dma_start3A_87 : memref<1x128x32xf32, #tpu.memory_space<vmem>> -> memref<128x32xf32, #tpu.memory_space<vmem>>
      %dma_start3A_89 = arith.constant 0 : i32
      %dma_start3A_90 = tpu.memref_slice %arg5[%dma_start3A_83, %dma_start3A_89] : memref<8x128xi32, #tpu.memory_space<vmem>> -> memref<1x128xi32, #tpu.memory_space<vmem>>
      %dma_start3A_91 = tpu.memref_squeeze %dma_start3A_90 : memref<1x128xi32, #tpu.memory_space<vmem>> -> memref<128xi32, #tpu.memory_space<vmem>>
      %dma_start3A_92 = arith.constant 0 : i32
      %dma_start3A_93 = arith.constant 0 : i32
      %dma_start3A_94 = tpu.memref_slice %arg2[%dma_start3A_92, %dma_start3A_93] : memref<1000000x32xf32, #tpu.memory_space<hbm>> -> memref<1000000x32xf32, #tpu.memory_space<hbm>>
      tpu.enqueue_indirect_dma source(%dma_start3A_94 : memref<1000000x32xf32, #tpu.memory_space<hbm>>) target(%dma_start3A_88 : memref<128x32xf32, #tpu.memory_space<vmem>>) offsets(%dma_start3A_91 : memref<128xi32, #tpu.memory_space<vmem>>) semaphore(%arg7 : memref<!tpu.dma_semaphore, #tpu.memory_space<semaphore_mem>>)
      %dma_start3A_95 = arith.constant 7 : i32
      %dma_start3A_96 = arith.constant 7 : i32
      %dma_start3A_97 = arith.constant 0 : i32
      %dma_start3A_98 = arith.constant 0 : i32
      %dma_start3A_99 = tpu.memref_slice %arg6[%dma_start3A_96, %dma_start3A_97, %dma_start3A_98] : memref<8x128x32xf32, #tpu.memory_space<vmem>> -> memref<1x128x32xf32, #tpu.memory_space<vmem>>
      %dma_start3A_100 = tpu.memref_squeeze %dma_start3A_99 : memref<1x128x32xf32, #tpu.memory_space<vmem>> -> memref<128x32xf32, #tpu.memory_space<vmem>>
      %dma_start3A_101 = arith.constant 0 : i32
      %dma_start3A_102 = tpu.memref_slice %arg5[%dma_start3A_95, %dma_start3A_101] : memref<8x128xi32, #tpu.memory_space<vmem>> -> memref<1x128xi32, #tpu.memory_space<vmem>>
      %dma_start3A_103 = tpu.memref_squeeze %dma_start3A_102 : memref<1x128xi32, #tpu.memory_space<vmem>> -> memref<128xi32, #tpu.memory_space<vmem>>
      %dma_start3A_104 = arith.constant 0 : i32
      %dma_start3A_105 = arith.constant 0 : i32
      %dma_start3A_106 = tpu.memref_slice %arg2[%dma_start3A_104, %dma_start3A_105] : memref<1000000x32xf32, #tpu.memory_space<hbm>> -> memref<1000000x32xf32, #tpu.memory_space<hbm>>
      tpu.enqueue_indirect_dma source(%dma_start3A_106 : memref<1000000x32xf32, #tpu.memory_space<hbm>>) target(%dma_start3A_100 : memref<128x32xf32, #tpu.memory_space<vmem>>) offsets(%dma_start3A_103 : memref<128xi32, #tpu.memory_space<vmem>>) semaphore(%arg7 : memref<!tpu.dma_semaphore, #tpu.memory_space<semaphore_mem>>)
      %dma_wait3A = arith.constant 0 : i32
      %dma_wait3A_107 = arith.constant 0 : i32
      %dma_wait3A_108 = arith.constant 0 : i32
      %dma_wait3A_109 = arith.constant 0 : i32
      %dma_wait3A_110 = tpu.memref_slice %arg6[%dma_wait3A_107, %dma_wait3A_108, %dma_wait3A_109] : memref<8x128x32xf32, #tpu.memory_space<vmem>> -> memref<1x128x32xf32, #tpu.memory_space<vmem>>
      %dma_wait3A_111 = tpu.memref_squeeze %dma_wait3A_110 : memref<1x128x32xf32, #tpu.memory_space<vmem>> -> memref<128x32xf32, #tpu.memory_space<vmem>>
      %dma_wait3A_112 = arith.constant 0 : i32
      %dma_wait3A_113 = tpu.memref_slice %arg5[%dma_wait3A, %dma_wait3A_112] : memref<8x128xi32, #tpu.memory_space<vmem>> -> memref<1x128xi32, #tpu.memory_space<vmem>>
      %dma_wait3A_114 = tpu.memref_squeeze %dma_wait3A_113 : memref<1x128xi32, #tpu.memory_space<vmem>> -> memref<128xi32, #tpu.memory_space<vmem>>
      %dma_wait3A_115 = arith.constant 0 : i32
      %dma_wait3A_116 = arith.constant 0 : i32
      %dma_wait3A_117 = tpu.memref_slice %arg2[%dma_wait3A_115, %dma_wait3A_116] : memref<1000000x32xf32, #tpu.memory_space<hbm>> -> memref<1000000x32xf32, #tpu.memory_space<hbm>>
      tpu.wait_indirect_dma semaphore(%arg7 : memref<!tpu.dma_semaphore, #tpu.memory_space<semaphore_mem>>) src(%dma_wait3A_117 : memref<1000000x32xf32, #tpu.memory_space<hbm>>) dst(%dma_wait3A_111 : memref<128x32xf32, #tpu.memory_space<vmem>>)
      %dma_wait3A_118 = arith.constant 1 : i32
      %dma_wait3A_119 = arith.constant 1 : i32
      %dma_wait3A_120 = arith.constant 0 : i32
      %dma_wait3A_121 = arith.constant 0 : i32
      %dma_wait3A_122 = tpu.memref_slice %arg6[%dma_wait3A_119, %dma_wait3A_120, %dma_wait3A_121] : memref<8x128x32xf32, #tpu.memory_space<vmem>> -> memref<1x128x32xf32, #tpu.memory_space<vmem>>
      %dma_wait3A_123 = tpu.memref_squeeze %dma_wait3A_122 : memref<1x128x32xf32, #tpu.memory_space<vmem>> -> memref<128x32xf32, #tpu.memory_space<vmem>>
      %dma_wait3A_124 = arith.constant 0 : i32
      %dma_wait3A_125 = tpu.memref_slice %arg5[%dma_wait3A_118, %dma_wait3A_124] : memref<8x128xi32, #tpu.memory_space<vmem>> -> memref<1x128xi32, #tpu.memory_space<vmem>>
      %dma_wait3A_126 = tpu.memref_squeeze %dma_wait3A_125 : memref<1x128xi32, #tpu.memory_space<vmem>> -> memref<128xi32, #tpu.memory_space<vmem>>
      %dma_wait3A_127 = arith.constant 0 : i32
      %dma_wait3A_128 = arith.constant 0 : i32
      %dma_wait3A_129 = tpu.memref_slice %arg2[%dma_wait3A_127, %dma_wait3A_128] : memref<1000000x32xf32, #tpu.memory_space<hbm>> -> memref<1000000x32xf32, #tpu.memory_space<hbm>>
      tpu.wait_indirect_dma semaphore(%arg7 : memref<!tpu.dma_semaphore, #tpu.memory_space<semaphore_mem>>) src(%dma_wait3A_129 : memref<1000000x32xf32, #tpu.memory_space<hbm>>) dst(%dma_wait3A_123 : memref<128x32xf32, #tpu.memory_space<vmem>>)
      %dma_wait3A_130 = arith.constant 2 : i32
      %dma_wait3A_131 = arith.constant 2 : i32
      %dma_wait3A_132 = arith.constant 0 : i32
      %dma_wait3A_133 = arith.constant 0 : i32
      %dma_wait3A_134 = tpu.memref_slice %arg6[%dma_wait3A_131, %dma_wait3A_132, %dma_wait3A_133] : memref<8x128x32xf32, #tpu.memory_space<vmem>> -> memref<1x128x32xf32, #tpu.memory_space<vmem>>
      %dma_wait3A_135 = tpu.memref_squeeze %dma_wait3A_134 : memref<1x128x32xf32, #tpu.memory_space<vmem>> -> memref<128x32xf32, #tpu.memory_space<vmem>>
      %dma_wait3A_136 = arith.constant 0 : i32
      %dma_wait3A_137 = tpu.memref_slice %arg5[%dma_wait3A_130, %dma_wait3A_136] : memref<8x128xi32, #tpu.memory_space<vmem>> -> memref<1x128xi32, #tpu.memory_space<vmem>>
      %dma_wait3A_138 = tpu.memref_squeeze %dma_wait3A_137 : memref<1x128xi32, #tpu.memory_space<vmem>> -> memref<128xi32, #tpu.memory_space<vmem>>
      %dma_wait3A_139 = arith.constant 0 : i32
      %dma_wait3A_140 = arith.constant 0 : i32
      %dma_wait3A_141 = tpu.memref_slice %arg2[%dma_wait3A_139, %dma_wait3A_140] : memref<1000000x32xf32, #tpu.memory_space<hbm>> -> memref<1000000x32xf32, #tpu.memory_space<hbm>>
      tpu.wait_indirect_dma semaphore(%arg7 : memref<!tpu.dma_semaphore, #tpu.memory_space<semaphore_mem>>) src(%dma_wait3A_141 : memref<1000000x32xf32, #tpu.memory_space<hbm>>) dst(%dma_wait3A_135 : memref<128x32xf32, #tpu.memory_space<vmem>>)
      %dma_wait3A_142 = arith.constant 3 : i32
      %dma_wait3A_143 = arith.constant 3 : i32
      %dma_wait3A_144 = arith.constant 0 : i32
      %dma_wait3A_145 = arith.constant 0 : i32
      %dma_wait3A_146 = tpu.memref_slice %arg6[%dma_wait3A_143, %dma_wait3A_144, %dma_wait3A_145] : memref<8x128x32xf32, #tpu.memory_space<vmem>> -> memref<1x128x32xf32, #tpu.memory_space<vmem>>
      %dma_wait3A_147 = tpu.memref_squeeze %dma_wait3A_146 : memref<1x128x32xf32, #tpu.memory_space<vmem>> -> memref<128x32xf32, #tpu.memory_space<vmem>>
      %dma_wait3A_148 = arith.constant 0 : i32
      %dma_wait3A_149 = tpu.memref_slice %arg5[%dma_wait3A_142, %dma_wait3A_148] : memref<8x128xi32, #tpu.memory_space<vmem>> -> memref<1x128xi32, #tpu.memory_space<vmem>>
      %dma_wait3A_150 = tpu.memref_squeeze %dma_wait3A_149 : memref<1x128xi32, #tpu.memory_space<vmem>> -> memref<128xi32, #tpu.memory_space<vmem>>
      %dma_wait3A_151 = arith.constant 0 : i32
      %dma_wait3A_152 = arith.constant 0 : i32
      %dma_wait3A_153 = tpu.memref_slice %arg2[%dma_wait3A_151, %dma_wait3A_152] : memref<1000000x32xf32, #tpu.memory_space<hbm>> -> memref<1000000x32xf32, #tpu.memory_space<hbm>>
      tpu.wait_indirect_dma semaphore(%arg7 : memref<!tpu.dma_semaphore, #tpu.memory_space<semaphore_mem>>) src(%dma_wait3A_153 : memref<1000000x32xf32, #tpu.memory_space<hbm>>) dst(%dma_wait3A_147 : memref<128x32xf32, #tpu.memory_space<vmem>>)
      %dma_wait3A_154 = arith.constant 4 : i32
      %dma_wait3A_155 = arith.constant 4 : i32
      %dma_wait3A_156 = arith.constant 0 : i32
      %dma_wait3A_157 = arith.constant 0 : i32
      %dma_wait3A_158 = tpu.memref_slice %arg6[%dma_wait3A_155, %dma_wait3A_156, %dma_wait3A_157] : memref<8x128x32xf32, #tpu.memory_space<vmem>> -> memref<1x128x32xf32, #tpu.memory_space<vmem>>
      %dma_wait3A_159 = tpu.memref_squeeze %dma_wait3A_158 : memref<1x128x32xf32, #tpu.memory_space<vmem>> -> memref<128x32xf32, #tpu.memory_space<vmem>>
      %dma_wait3A_160 = arith.constant 0 : i32
      %dma_wait3A_161 = tpu.memref_slice %arg5[%dma_wait3A_154, %dma_wait3A_160] : memref<8x128xi32, #tpu.memory_space<vmem>> -> memref<1x128xi32, #tpu.memory_space<vmem>>
      %dma_wait3A_162 = tpu.memref_squeeze %dma_wait3A_161 : memref<1x128xi32, #tpu.memory_space<vmem>> -> memref<128xi32, #tpu.memory_space<vmem>>
      %dma_wait3A_163 = arith.constant 0 : i32
      %dma_wait3A_164 = arith.constant 0 : i32
      %dma_wait3A_165 = tpu.memref_slice %arg2[%dma_wait3A_163, %dma_wait3A_164] : memref<1000000x32xf32, #tpu.memory_space<hbm>> -> memref<1000000x32xf32, #tpu.memory_space<hbm>>
      tpu.wait_indirect_dma semaphore(%arg7 : memref<!tpu.dma_semaphore, #tpu.memory_space<semaphore_mem>>) src(%dma_wait3A_165 : memref<1000000x32xf32, #tpu.memory_space<hbm>>) dst(%dma_wait3A_159 : memref<128x32xf32, #tpu.memory_space<vmem>>)
      %dma_wait3A_166 = arith.constant 5 : i32
      %dma_wait3A_167 = arith.constant 5 : i32
      %dma_wait3A_168 = arith.constant 0 : i32
      %dma_wait3A_169 = arith.constant 0 : i32
      %dma_wait3A_170 = tpu.memref_slice %arg6[%dma_wait3A_167, %dma_wait3A_168, %dma_wait3A_169] : memref<8x128x32xf32, #tpu.memory_space<vmem>> -> memref<1x128x32xf32, #tpu.memory_space<vmem>>
      %dma_wait3A_171 = tpu.memref_squeeze %dma_wait3A_170 : memref<1x128x32xf32, #tpu.memory_space<vmem>> -> memref<128x32xf32, #tpu.memory_space<vmem>>
      %dma_wait3A_172 = arith.constant 0 : i32
      %dma_wait3A_173 = tpu.memref_slice %arg5[%dma_wait3A_166, %dma_wait3A_172] : memref<8x128xi32, #tpu.memory_space<vmem>> -> memref<1x128xi32, #tpu.memory_space<vmem>>
      %dma_wait3A_174 = tpu.memref_squeeze %dma_wait3A_173 : memref<1x128xi32, #tpu.memory_space<vmem>> -> memref<128xi32, #tpu.memory_space<vmem>>
      %dma_wait3A_175 = arith.constant 0 : i32
      %dma_wait3A_176 = arith.constant 0 : i32
      %dma_wait3A_177 = tpu.memref_slice %arg2[%dma_wait3A_175, %dma_wait3A_176] : memref<1000000x32xf32, #tpu.memory_space<hbm>> -> memref<1000000x32xf32, #tpu.memory_space<hbm>>
      tpu.wait_indirect_dma semaphore(%arg7 : memref<!tpu.dma_semaphore, #tpu.memory_space<semaphore_mem>>) src(%dma_wait3A_177 : memref<1000000x32xf32, #tpu.memory_space<hbm>>) dst(%dma_wait3A_171 : memref<128x32xf32, #tpu.memory_space<vmem>>)
      %dma_wait3A_178 = arith.constant 6 : i32
      %dma_wait3A_179 = arith.constant 6 : i32
      %dma_wait3A_180 = arith.constant 0 : i32
      %dma_wait3A_181 = arith.constant 0 : i32
      %dma_wait3A_182 = tpu.memref_slice %arg6[%dma_wait3A_179, %dma_wait3A_180, %dma_wait3A_181] : memref<8x128x32xf32, #tpu.memory_space<vmem>> -> memref<1x128x32xf32, #tpu.memory_space<vmem>>
      %dma_wait3A_183 = tpu.memref_squeeze %dma_wait3A_182 : memref<1x128x32xf32, #tpu.memory_space<vmem>> -> memref<128x32xf32, #tpu.memory_space<vmem>>
      %dma_wait3A_184 = arith.constant 0 : i32
      %dma_wait3A_185 = tpu.memref_slice %arg5[%dma_wait3A_178, %dma_wait3A_184] : memref<8x128xi32, #tpu.memory_space<vmem>> -> memref<1x128xi32, #tpu.memory_space<vmem>>
      %dma_wait3A_186 = tpu.memref_squeeze %dma_wait3A_185 : memref<1x128xi32, #tpu.memory_space<vmem>> -> memref<128xi32, #tpu.memory_space<vmem>>
      %dma_wait3A_187 = arith.constant 0 : i32
      %dma_wait3A_188 = arith.constant 0 : i32
      %dma_wait3A_189 = tpu.memref_slice %arg2[%dma_wait3A_187, %dma_wait3A_188] : memref<1000000x32xf32, #tpu.memory_space<hbm>> -> memref<1000000x32xf32, #tpu.memory_space<hbm>>
      tpu.wait_indirect_dma semaphore(%arg7 : memref<!tpu.dma_semaphore, #tpu.memory_space<semaphore_mem>>) src(%dma_wait3A_189 : memref<1000000x32xf32, #tpu.memory_space<hbm>>) dst(%dma_wait3A_183 : memref<128x32xf32, #tpu.memory_space<vmem>>)
      %dma_wait3A_190 = arith.constant 7 : i32
      %dma_wait3A_191 = arith.constant 7 : i32
      %dma_wait3A_192 = arith.constant 0 : i32
      %dma_wait3A_193 = arith.constant 0 : i32
      %dma_wait3A_194 = tpu.memref_slice %arg6[%dma_wait3A_191, %dma_wait3A_192, %dma_wait3A_193] : memref<8x128x32xf32, #tpu.memory_space<vmem>> -> memref<1x128x32xf32, #tpu.memory_space<vmem>>
      %dma_wait3A_195 = tpu.memref_squeeze %dma_wait3A_194 : memref<1x128x32xf32, #tpu.memory_space<vmem>> -> memref<128x32xf32, #tpu.memory_space<vmem>>
      %dma_wait3A_196 = arith.constant 0 : i32
      %dma_wait3A_197 = tpu.memref_slice %arg5[%dma_wait3A_190, %dma_wait3A_196] : memref<8x128xi32, #tpu.memory_space<vmem>> -> memref<1x128xi32, #tpu.memory_space<vmem>>
      %dma_wait3A_198 = tpu.memref_squeeze %dma_wait3A_197 : memref<1x128xi32, #tpu.memory_space<vmem>> -> memref<128xi32, #tpu.memory_space<vmem>>
      %dma_wait3A_199 = arith.constant 0 : i32
      %dma_wait3A_200 = arith.constant 0 : i32
      %dma_wait3A_201 = tpu.memref_slice %arg2[%dma_wait3A_199, %dma_wait3A_200] : memref<1000000x32xf32, #tpu.memory_space<hbm>> -> memref<1000000x32xf32, #tpu.memory_space<hbm>>
      tpu.wait_indirect_dma semaphore(%arg7 : memref<!tpu.dma_semaphore, #tpu.memory_space<semaphore_mem>>) src(%dma_wait3A_201 : memref<1000000x32xf32, #tpu.memory_space<hbm>>) dst(%dma_wait3A_195 : memref<128x32xf32, #tpu.memory_space<vmem>>)
      "tpu.region"() ({
        %run_scoped3A = tpu.sem_alloc : memref<!tpu.dma_semaphore, #tpu.memory_space<semaphore_mem>>
        %dma_start3A_202 = arith.constant 0 : i32
        %dma_start3A_203 = arith.constant 0 : i32
        %dma_start3A_204 = tpu.memref_slice %arg4[%add3A_11, %dma_start3A_202, %dma_start3A_203] : memref<25600x128x32xf32, #tpu.memory_space<hbm>> -> memref<8x128x32xf32, #tpu.memory_space<hbm>>
        %dma_start3A_205 = arith.constant 0 : i32
        %dma_start3A_206 = arith.constant 0 : i32
        %dma_start3A_207 = tpu.memref_slice %arg4[%add3A_11, %dma_start3A_205, %dma_start3A_206] : memref<25600x128x32xf32, #tpu.memory_space<hbm>> -> memref<8x128x32xf32, #tpu.memory_space<hbm>>
        tpu.enqueue_dma source(%arg6 : memref<8x128x32xf32, #tpu.memory_space<vmem>>) target(%dma_start3A_207 : memref<8x128x32xf32, #tpu.memory_space<hbm>>) target_semaphore(%run_scoped3A : memref<!tpu.dma_semaphore, #tpu.memory_space<semaphore_mem>>)
        %dma_wait3A_208 = arith.constant 0 : i32
        %dma_wait3A_209 = arith.constant 0 : i32
        %dma_wait3A_210 = tpu.memref_slice %arg4[%add3A_11, %dma_wait3A_208, %dma_wait3A_209] : memref<25600x128x32xf32, #tpu.memory_space<hbm>> -> memref<8x128x32xf32, #tpu.memory_space<hbm>>
        %dma_wait3A_211 = arith.constant 0 : i32
        %dma_wait3A_212 = arith.constant 0 : i32
        %dma_wait3A_213 = tpu.memref_slice %arg4[%add3A_11, %dma_wait3A_211, %dma_wait3A_212] : memref<25600x128x32xf32, #tpu.memory_space<hbm>> -> memref<8x128x32xf32, #tpu.memory_space<hbm>>
        tpu.wait_dma2 semaphore(%run_scoped3A : memref<!tpu.dma_semaphore, #tpu.memory_space<semaphore_mem>>) src(%arg6 : memref<8x128x32xf32, #tpu.memory_space<vmem>>) dst(%dma_wait3A_213 : memref<8x128x32xf32, #tpu.memory_space<hbm>>)
        tpu.yield
      }) : () -> ()
    }
    %scan3A_7 = arith.constant 100 : i32
    return
  }
}

module attributes {stable_mosaic.version = 14 : i64} {
  func.func @_ln_body_t(%arg0: i32, %arg1: memref<32x8192xf32, #tpu.memory_space<vmem>>, %arg2: memref<32x1xf32, #tpu.memory_space<vmem>>, %arg3: memref<32x1xf32, #tpu.memory_space<vmem>>, %arg4: memref<8192x32xf32, #tpu.memory_space<vmem>>) attributes {dimension_semantics = [#tpu.dimension_semantics<arbitrary>], iteration_bounds = array<i64: 123>, scalar_prefetch = 0 : i64, scratch_operands = 0 : i64, tpu.core_type = #tpu.core_type<tc>, window_params = [{transform_indices = @transform_0, window_bounds = array<i64: 32, 8192>}, {pipeline_mode = #tpu.pipeline_mode<synchronous>, transform_indices = @transform_1, window_bounds = array<i64: 32, 1>}, {pipeline_mode = #tpu.pipeline_mode<synchronous>, transform_indices = @transform_2, window_bounds = array<i64: 32, 1>}, {transform_indices = @transform_3, window_bounds = array<i64: 8192, 32>}]} {
    %get3A = arith.constant 0 : index
    %get3A_0 = arith.constant 0 : index
    %get3A_1 = vector.load %arg1[%get3A, %get3A_0] : memref<32x8192xf32, #tpu.memory_space<vmem>>, vector<32x8192xf32>
    %reduce_sum3A = arith.constant dense<0.000000e+00> : vector<8192xf32>
    %reduce_sum3A_2 = vector.multi_reduction <add>, %get3A_1, %reduce_sum3A [0] : vector<32x8192xf32> to vector<8192xf32>
    %broadcast_in_dim3A = vector.shape_cast %reduce_sum3A_2 : vector<8192xf32> to vector<1x8192xf32>
    %div3A = arith.constant 3.200000e+01 : f32
    %div3A_3 = vector.broadcast %div3A : f32 to vector<1x8192xf32>
    %div3A_4 = arith.divf %broadcast_in_dim3A, %div3A_3 : vector<1x8192xf32>
    %sub3A = vector.broadcast %div3A_4 : vector<1x8192xf32> to vector<32x8192xf32>
    %sub3A_5 = arith.subf %get3A_1, %sub3A : vector<32x8192xf32>
    %square3A = arith.mulf %sub3A_5, %sub3A_5 : vector<32x8192xf32>
    %reduce_sum3A_6 = arith.constant dense<0.000000e+00> : vector<8192xf32>
    %reduce_sum3A_7 = vector.multi_reduction <add>, %square3A, %reduce_sum3A_6 [0] : vector<32x8192xf32> to vector<8192xf32>
    %broadcast_in_dim3A_8 = vector.shape_cast %reduce_sum3A_7 : vector<8192xf32> to vector<1x8192xf32>
    %div3A_9 = arith.constant 3.200000e+01 : f32
    %div3A_10 = vector.broadcast %div3A_9 : f32 to vector<1x8192xf32>
    %div3A_11 = arith.divf %broadcast_in_dim3A_8, %div3A_10 : vector<1x8192xf32>
    %sub3A_12 = vector.broadcast %div3A_4 : vector<1x8192xf32> to vector<32x8192xf32>
    %sub3A_13 = arith.subf %get3A_1, %sub3A_12 : vector<32x8192xf32>
    %add3A = arith.constant 9.99999974E-6 : f32
    %add3A_14 = vector.broadcast %add3A : f32 to vector<1x8192xf32>
    %add3A_15 = arith.addf %div3A_11, %add3A_14 : vector<1x8192xf32>
    %sqrt3A = math.sqrt %add3A_15 : vector<1x8192xf32>
    %div3A_16 = vector.broadcast %sqrt3A : vector<1x8192xf32> to vector<32x8192xf32>
    %div3A_17 = arith.divf %sub3A_13, %div3A_16 : vector<32x8192xf32>
    %get3A_18 = arith.constant 0 : index
    %get3A_19 = arith.constant 0 : index
    %get3A_20 = vector.load %arg2[%get3A_18, %get3A_19] : memref<32x1xf32, #tpu.memory_space<vmem>>, vector<32x1xf32>
    %mul3A = vector.broadcast %get3A_20 : vector<32x1xf32> to vector<32x8192xf32>
    %mul3A_21 = arith.mulf %div3A_17, %mul3A : vector<32x8192xf32>
    %get3A_22 = arith.constant 0 : index
    %get3A_23 = arith.constant 0 : index
    %get3A_24 = vector.load %arg3[%get3A_22, %get3A_23] : memref<32x1xf32, #tpu.memory_space<vmem>>, vector<32x1xf32>
    %add3A_25 = vector.broadcast %get3A_24 : vector<32x1xf32> to vector<32x8192xf32>
    %add3A_26 = arith.addf %mul3A_21, %add3A_25 : vector<32x8192xf32>
    %transpose3A = tpu.transpose %add3A_26, [1, 0] : vector<32x8192xf32> -> vector<8192x32xf32>
    %swap3A = arith.constant 0 : index
    %swap3A_27 = arith.constant 0 : index
    %swap3A_28 = vector.load %arg4[%swap3A, %swap3A_27] : memref<8192x32xf32, #tpu.memory_space<vmem>>, vector<8192x32xf32>
    tpu.vector_store %arg4[%swap3A, %swap3A_27], %transpose3A {strides = array<i32>} : memref<8192x32xf32, #tpu.memory_space<vmem>>, vector<8192x32xf32>,
    return
  }
  func.func @transform_0(%arg0: i32) -> (i32, i32) {
    %c0_i32 = arith.constant 0 : i32
    %c0_i32_0 = arith.constant 0 : i32
    return %c0_i32, %arg0 : i32, i32
  }
  func.func @transform_1(%arg0: i32) -> (i32, i32) {
    %c0_i32 = arith.constant 0 : i32
    %c0_i32_0 = arith.constant 0 : i32
    %c0_i32_1 = arith.constant 0 : i32
    return %c0_i32, %c0_i32_0 : i32, i32
  }
  func.func @transform_2(%arg0: i32) -> (i32, i32) {
    %c0_i32 = arith.constant 0 : i32
    %c0_i32_0 = arith.constant 0 : i32
    %c0_i32_1 = arith.constant 0 : i32
    return %c0_i32, %c0_i32_0 : i32, i32
  }
  func.func @transform_3(%arg0: i32) -> (i32, i32) {
    %c0_i32 = arith.constant 0 : i32
    %c0_i32_0 = arith.constant 0 : i32
    return %arg0, %c0_i32 : i32, i32
  }
}

module attributes {stable_mosaic.version = 14 : i64} {
  func.func @_idx_body_t(%arg0: i32, %arg1: memref<200x16384xf32, #tpu.memory_space<vmem>>, %arg2: memref<200x16384xi32, #tpu.memory_space<vmem>>) attributes {dimension_semantics = [#tpu.dimension_semantics<arbitrary>], iteration_bounds = array<i64: 1>, scalar_prefetch = 0 : i64, scratch_operands = 0 : i64, tpu.core_type = #tpu.core_type<tc>, window_params = [{pipeline_mode = #tpu.pipeline_mode<synchronous>, transform_indices = @transform_0, window_bounds = array<i64: 200, 16384>}, {pipeline_mode = #tpu.pipeline_mode<synchronous>, transform_indices = @transform_1, window_bounds = array<i64: 200, 16384>}]} {
    %get3A = arith.constant 0 : index
    %get3A_0 = arith.constant 0 : index
    %get3A_1 = vector.load %arg1[%get3A, %get3A_0] : memref<200x16384xf32, #tpu.memory_space<vmem>>, vector<200x16384xf32>
    %slice3A = vector.extract_strided_slice %get3A_1 {offsets = [0, 0], sizes = [8, 16384], strides = [1, 1]} : vector<200x16384xf32> to vector<8x16384xf32>
    %slice3A_2 = vector.extract_strided_slice %get3A_1 {offsets = [8, 0], sizes = [8, 16384], strides = [1, 1]} : vector<200x16384xf32> to vector<8x16384xf32>
    %add3A = arith.addf %slice3A, %slice3A_2 : vector<8x16384xf32>
    %slice3A_3 = vector.extract_strided_slice %get3A_1 {offsets = [16, 0], sizes = [8, 16384], strides = [1, 1]} : vector<200x16384xf32> to vector<8x16384xf32>
    %add3A_4 = arith.addf %add3A, %slice3A_3 : vector<8x16384xf32>
    %slice3A_5 = vector.extract_strided_slice %get3A_1 {offsets = [24, 0], sizes = [8, 16384], strides = [1, 1]} : vector<200x16384xf32> to vector<8x16384xf32>
    %add3A_6 = arith.addf %add3A_4, %slice3A_5 : vector<8x16384xf32>
    %slice3A_7 = vector.extract_strided_slice %get3A_1 {offsets = [32, 0], sizes = [8, 16384], strides = [1, 1]} : vector<200x16384xf32> to vector<8x16384xf32>
    %add3A_8 = arith.addf %add3A_6, %slice3A_7 : vector<8x16384xf32>
    %slice3A_9 = vector.extract_strided_slice %get3A_1 {offsets = [40, 0], sizes = [8, 16384], strides = [1, 1]} : vector<200x16384xf32> to vector<8x16384xf32>
    %add3A_10 = arith.addf %add3A_8, %slice3A_9 : vector<8x16384xf32>
    %slice3A_11 = vector.extract_strided_slice %get3A_1 {offsets = [48, 0], sizes = [8, 16384], strides = [1, 1]} : vector<200x16384xf32> to vector<8x16384xf32>
    %add3A_12 = arith.addf %add3A_10, %slice3A_11 : vector<8x16384xf32>
    %slice3A_13 = vector.extract_strided_slice %get3A_1 {offsets = [56, 0], sizes = [8, 16384], strides = [1, 1]} : vector<200x16384xf32> to vector<8x16384xf32>
    %add3A_14 = arith.addf %add3A_12, %slice3A_13 : vector<8x16384xf32>
    %slice3A_15 = vector.extract_strided_slice %get3A_1 {offsets = [64, 0], sizes = [8, 16384], strides = [1, 1]} : vector<200x16384xf32> to vector<8x16384xf32>
    %add3A_16 = arith.addf %add3A_14, %slice3A_15 : vector<8x16384xf32>
    %slice3A_17 = vector.extract_strided_slice %get3A_1 {offsets = [72, 0], sizes = [8, 16384], strides = [1, 1]} : vector<200x16384xf32> to vector<8x16384xf32>
    %add3A_18 = arith.addf %add3A_16, %slice3A_17 : vector<8x16384xf32>
    %slice3A_19 = vector.extract_strided_slice %get3A_1 {offsets = [80, 0], sizes = [8, 16384], strides = [1, 1]} : vector<200x16384xf32> to vector<8x16384xf32>
    %add3A_20 = arith.addf %add3A_18, %slice3A_19 : vector<8x16384xf32>
    %slice3A_21 = vector.extract_strided_slice %get3A_1 {offsets = [88, 0], sizes = [8, 16384], strides = [1, 1]} : vector<200x16384xf32> to vector<8x16384xf32>
    %add3A_22 = arith.addf %add3A_20, %slice3A_21 : vector<8x16384xf32>
    %slice3A_23 = vector.extract_strided_slice %get3A_1 {offsets = [96, 0], sizes = [8, 16384], strides = [1, 1]} : vector<200x16384xf32> to vector<8x16384xf32>
    %add3A_24 = arith.addf %add3A_22, %slice3A_23 : vector<8x16384xf32>
    %slice3A_25 = vector.extract_strided_slice %get3A_1 {offsets = [104, 0], sizes = [8, 16384], strides = [1, 1]} : vector<200x16384xf32> to vector<8x16384xf32>
    %add3A_26 = arith.addf %add3A_24, %slice3A_25 : vector<8x16384xf32>
    %slice3A_27 = vector.extract_strided_slice %get3A_1 {offsets = [112, 0], sizes = [8, 16384], strides = [1, 1]} : vector<200x16384xf32> to vector<8x16384xf32>
    %add3A_28 = arith.addf %add3A_26, %slice3A_27 : vector<8x16384xf32>
    %slice3A_29 = vector.extract_strided_slice %get3A_1 {offsets = [120, 0], sizes = [8, 16384], strides = [1, 1]} : vector<200x16384xf32> to vector<8x16384xf32>
    %add3A_30 = arith.addf %add3A_28, %slice3A_29 : vector<8x16384xf32>
    %slice3A_31 = vector.extract_strided_slice %get3A_1 {offsets = [128, 0], sizes = [8, 16384], strides = [1, 1]} : vector<200x16384xf32> to vector<8x16384xf32>
    %add3A_32 = arith.addf %add3A_30, %slice3A_31 : vector<8x16384xf32>
    %slice3A_33 = vector.extract_strided_slice %get3A_1 {offsets = [136, 0], sizes = [8, 16384], strides = [1, 1]} : vector<200x16384xf32> to vector<8x16384xf32>
    %add3A_34 = arith.addf %add3A_32, %slice3A_33 : vector<8x16384xf32>
    %slice3A_35 = vector.extract_strided_slice %get3A_1 {offsets = [144, 0], sizes = [8, 16384], strides = [1, 1]} : vector<200x16384xf32> to vector<8x16384xf32>
    %add3A_36 = arith.addf %add3A_34, %slice3A_35 : vector<8x16384xf32>
    %slice3A_37 = vector.extract_strided_slice %get3A_1 {offsets = [152, 0], sizes = [8, 16384], strides = [1, 1]} : vector<200x16384xf32> to vector<8x16384xf32>
    %add3A_38 = arith.addf %add3A_36, %slice3A_37 : vector<8x16384xf32>
    %slice3A_39 = vector.extract_strided_slice %get3A_1 {offsets = [160, 0], sizes = [8, 16384], strides = [1, 1]} : vector<200x16384xf32> to vector<8x16384xf32>
    %add3A_40 = arith.addf %add3A_38, %slice3A_39 : vector<8x16384xf32>
    %slice3A_41 = vector.extract_strided_slice %get3A_1 {offsets = [168, 0], sizes = [8, 16384], strides = [1, 1]} : vector<200x16384xf32> to vector<8x16384xf32>
    %add3A_42 = arith.addf %add3A_40, %slice3A_41 : vector<8x16384xf32>
    %slice3A_43 = vector.extract_strided_slice %get3A_1 {offsets = [176, 0], sizes = [8, 16384], strides = [1, 1]} : vector<200x16384xf32> to vector<8x16384xf32>
    %add3A_44 = arith.addf %add3A_42, %slice3A_43 : vector<8x16384xf32>
    %slice3A_45 = vector.extract_strided_slice %get3A_1 {offsets = [184, 0], sizes = [8, 16384], strides = [1, 1]} : vector<200x16384xf32> to vector<8x16384xf32>
    %add3A_46 = arith.addf %add3A_44, %slice3A_45 : vector<8x16384xf32>
    %slice3A_47 = vector.extract_strided_slice %get3A_1 {offsets = [192, 0], sizes = [8, 16384], strides = [1, 1]} : vector<200x16384xf32> to vector<8x16384xf32>
    %add3A_48 = arith.addf %add3A_46, %slice3A_47 : vector<8x16384xf32>
    %slice3A_49 = vector.extract_strided_slice %add3A_48 {offsets = [0, 0], sizes = [4, 16384], strides = [1, 1]} : vector<8x16384xf32> to vector<4x16384xf32>
    %slice3A_50 = vector.extract_strided_slice %add3A_48 {offsets = [4, 0], sizes = [4, 16384], strides = [1, 1]} : vector<8x16384xf32> to vector<4x16384xf32>
    %add3A_51 = arith.addf %slice3A_49, %slice3A_50 : vector<4x16384xf32>
    %slice3A_52 = vector.extract_strided_slice %add3A_51 {offsets = [0, 0], sizes = [2, 16384], strides = [1, 1]} : vector<4x16384xf32> to vector<2x16384xf32>
    %slice3A_53 = vector.extract_strided_slice %add3A_51 {offsets = [2, 0], sizes = [2, 16384], strides = [1, 1]} : vector<4x16384xf32> to vector<2x16384xf32>
    %add3A_54 = arith.addf %slice3A_52, %slice3A_53 : vector<2x16384xf32>
    %slice3A_55 = vector.extract_strided_slice %add3A_54 {offsets = [0, 0], sizes = [1, 16384], strides = [1, 1]} : vector<2x16384xf32> to vector<1x16384xf32>
    %slice3A_56 = vector.extract_strided_slice %add3A_54 {offsets = [1, 0], sizes = [1, 16384], strides = [1, 1]} : vector<2x16384xf32> to vector<1x16384xf32>
    %add3A_57 = arith.addf %slice3A_55, %slice3A_56 : vector<1x16384xf32>
    %div3A = vector.broadcast %add3A_57 : vector<1x16384xf32> to vector<200x16384xf32>
    %div3A_58 = arith.divf %get3A_1, %div3A : vector<200x16384xf32>
    %mul3A = arith.constant 9.999990e+05 : f32
    %mul3A_59 = vector.broadcast %mul3A : f32 to vector<200x16384xf32>
    %mul3A_60 = arith.mulf %div3A_58, %mul3A_59 : vector<200x16384xf32>
    %convert_element_type3A = arith.fptosi %mul3A_60 : vector<200x16384xf32> to vector<200x16384xi32>
    %transpose3A = tpu.transpose %convert_element_type3A, [1, 0] : vector<200x16384xi32> -> vector<16384x200xi32>
    %reshape3A = vector.shape_cast %transpose3A : vector<16384x200xi32> to vector<4x4096x200xi32>
    %transpose3A_61 = tpu.transpose %reshape3A, [1, 0, 2] : vector<4x4096x200xi32> -> vector<4096x4x200xi32>
    %reshape3A_62 = vector.shape_cast %transpose3A_61 : vector<4096x4x200xi32> to vector<16384x200xi32>
    %transpose3A_63 = tpu.transpose %reshape3A_62, [1, 0] : vector<16384x200xi32> -> vector<200x16384xi32>
    %swap3A = arith.constant 0 : index
    %swap3A_64 = arith.constant 0 : index
    %swap3A_65 = vector.load %arg2[%swap3A, %swap3A_64] : memref<200x16384xi32, #tpu.memory_space<vmem>>, vector<200x16384xi32>
    tpu.vector_store %arg2[%swap3A, %swap3A_64], %transpose3A_63 {strides = array<i32>} : memref<200x16384xi32, #tpu.memory_space<vmem>>, vector<200x16384xi32>,
    return
  }
  func.func @transform_0(%arg0: i32) -> (i32, i32) {
    %c0_i32 = arith.constant 0 : i32
    %c0_i32_0 = arith.constant 0 : i32
    %c0_i32_1 = arith.constant 0 : i32
    return %c0_i32, %c0_i32_0 : i32, i32
  }
  func.func @transform_1(%arg0: i32) -> (i32, i32) {
    %c0_i32 = arith.constant 0 : i32
    %c0_i32_0 = arith.constant 0 : i32
    %c0_i32_1 = arith.constant 0 : i32
    return %c0_i32, %c0_i32_0 : i32, i32
  }
}

module attributes {stable_mosaic.version = 14 : i64} {
  func.func @_fin_body(%arg0: i32, %arg1: memref<4096x128xf32, #tpu.memory_space<vmem>>, %arg2: memref<1x32x16384xf32, #tpu.memory_space<vmem>>) attributes {dimension_semantics = [#tpu.dimension_semantics<arbitrary>], iteration_bounds = array<i64: 200>, scalar_prefetch = 0 : i64, scratch_operands = 0 : i64, tpu.core_type = #tpu.core_type<tc>, window_params = [{transform_indices = @transform_0, window_bounds = array<i64: 4096, 128>}, {transform_indices = @transform_1, window_bounds = array<i64: 1, 32, 16384>}]} {
    %get3A = arith.constant 0 : index
    %get3A_0 = arith.constant 0 : index
    %get3A_1 = vector.load %arg1[%get3A, %get3A_0] : memref<4096x128xf32, #tpu.memory_space<vmem>>, vector<4096x128xf32>
    %transpose3A = tpu.transpose %get3A_1, [1, 0] : vector<4096x128xf32> -> vector<128x4096xf32>
    %reshape3A = vector.shape_cast %transpose3A : vector<128x4096xf32> to vector<4x32x4096xf32>
    %transpose3A_2 = tpu.transpose %reshape3A, [1, 0, 2] : vector<4x32x4096xf32> -> vector<32x4x4096xf32>
    %reshape3A_3 = vector.shape_cast %transpose3A_2 : vector<32x4x4096xf32> to vector<32x16384xf32>
    %broadcast_in_dim3A = vector.shape_cast %reshape3A_3 : vector<32x16384xf32> to vector<1x32x16384xf32>
    %swap3A = arith.constant 0 : index
    %swap3A_4 = arith.constant 0 : index
    %swap3A_5 = arith.constant 0 : index
    %swap3A_6 = vector.load %arg2[%swap3A, %swap3A_4, %swap3A_5] : memref<1x32x16384xf32, #tpu.memory_space<vmem>>, vector<1x32x16384xf32>
    tpu.vector_store %arg2[%swap3A, %swap3A_4, %swap3A_5], %broadcast_in_dim3A {strides = array<i32>} : memref<1x32x16384xf32, #tpu.memory_space<vmem>>, vector<1x32x16384xf32>,
    return
  }
  func.func @transform_0(%arg0: i32) -> (i32, i32) {
    %c0_i32 = arith.constant 0 : i32
    %c0_i32_0 = arith.constant 0 : i32
    return %arg0, %c0_i32 : i32, i32
  }
  func.func @transform_1(%arg0: i32) -> (i32, i32, i32) {
    %jit3A = arith.constant 1 : i32
    %div3A = arith.divsi %arg0, %jit3A : i32
    %sign3A = arith.constant 0 : i32
    %sign3A_0 = arith.cmpi sgt, %arg0, %sign3A : i32
    %sign3A_1 = arith.extui %sign3A_0 : i1 to i32
    %sign3A_2 = arith.constant 0 : i32
    %sign3A_3 = arith.cmpi slt, %arg0, %sign3A_2 : i32
    %sign3A_4 = arith.extui %sign3A_3 : i1 to i32
    %sign3A_5 = arith.subi %sign3A_1, %sign3A_4 : i32
    %sign3A_6 = arith.constant 0 : i32
    %sign3A_7 = arith.cmpi sgt, %jit3A, %sign3A_6 : i32
    %sign3A_8 = arith.extui %sign3A_7 : i1 to i32
    %sign3A_9 = arith.constant 0 : i32
    %sign3A_10 = arith.cmpi slt, %jit3A, %sign3A_9 : i32
    %sign3A_11 = arith.extui %sign3A_10 : i1 to i32
    %sign3A_12 = arith.subi %sign3A_8, %sign3A_11 : i32
    %ne3A = arith.cmpi ne, %sign3A_5, %sign3A_12 : i32
    %rem3A = arith.remsi %arg0, %jit3A : i32
    %ne3A_13 = arith.constant 0 : i32
    %ne3A_14 = arith.cmpi ne, %rem3A, %ne3A_13 : i32
    %and3A = arith.andi %ne3A, %ne3A_14 : i1
    %sub3A = arith.constant 1 : i32
    %sub3A_15 = arith.subi %div3A, %sub3A : i32
    %select_n3A = arith.select %and3A, %sub3A_15, %div3A : i32
    %jit3A_16 = arith.constant 1 : i32
    %eq3A = arith.constant 0 : i32
    %eq3A_17 = arith.cmpi eq, %jit3A_16, %eq3A : i32
    %jit3A_18 = arith.constant 1 : i32
    %select_n3A_19 = arith.select %eq3A_17, %jit3A_18, %jit3A_16 : i32
    %rem3A_20 = arith.remsi %arg0, %select_n3A_19 : i32
    %ne3A_21 = arith.constant 0 : i32
    %ne3A_22 = arith.cmpi ne, %rem3A_20, %ne3A_21 : i32
    %lt3A = arith.constant 0 : i32
    %lt3A_23 = arith.cmpi slt, %rem3A_20, %lt3A : i32
    %lt3A_24 = arith.constant 0 : i32
    %lt3A_25 = arith.cmpi slt, %select_n3A_19, %lt3A_24 : i32
    %ne3A_26 = arith.xori %lt3A_23, %lt3A_25 : i1
    %and3A_27 = arith.andi %ne3A_26, %ne3A_22 : i1
    %add3A = arith.addi %rem3A_20, %select_n3A_19 : i32
    %select_n3A_28 = arith.select %and3A_27, %add3A, %rem3A_20 : i32
    %c0_i32 = arith.constant 0 : i32
    %c0_i32_29 = arith.constant 0 : i32
    return %select_n3A, %c0_i32, %select_n3A_28 : i32, i32, i32
  }
}

</mosaic_0001>

<sc_bundles>
// kernel: kernel.6.cloned.1.call-start
scs
__scs_entry_jumppad:
0x0: {  	(pc) =	sbr.rel $0x88, $3  }
0x1: {  	(tag) =	ssettag $0x0;
	lr =	simm.s32 $0x1  }
0x2: {  	[smem:$0x3F9D] =	sst lr;
	_ =	strace $0xD0000000  }
0x3: {  	_ = 	snop  }
0x4: {  	_ = 	snop  }
0x5: {  	_ = 	snop  }
0x6: {  	_ = 	snop  }
0x7: {  	_ = 	snop  }
__scs_overlays_trampoline_lowered:
0x8: {  	[smem:$0x3FAC] =	sst s0  }
0x9: {  	[smem:$0x3FAD] =	sst s1  }
0xa: {  	[smem:$0x3FAE] =	sst s2  }
0xb: {  	[smem:$0x3FAF] =	sst s3  }
0xc: {  	[smem:$0x3FB0] =	sst s4  }
0xd: {  	[smem:$0x3FB1] =	sst s5  }
0xe: {  	[smem:$0x3FB2] =	sst s6  }
0xf: {  	[smem:$0x3FB3] =	sst s7  }
0x10: {  	[smem:$0x3FB4] =	sst s8  }
0x11: {  	[smem:$0x3FB5] =	sst s9;
	s0 =	simm.s32 @!p0 $0x0  }
0x12: {  	s1 =	sld [smem:$0x3F9B];
	s0 =	simm.s32 @p0 $0x1  }
0x13: {  	[smem:$0x3FB6] =	sst s0;
	s0 =	simm.s32 @!p1 $0x0  }
0x14: {  	s2 =	sld [smem:$0x3F9A];
	s0 =	simm.s32 @p1 $0x1  }
0x15: {  	[smem:$0x3FB7] =	sst s0;
	s0 =	simm.s32 @!p2 $0x0  }
0x16: {  	s3 =	sld [smem:$0x3FDB];
	s0 =	simm.s32 @p2 $0x1  }
0x17: {  	s4 =	simm.s32 $0x1BF5;
	[smem:$0x3FB9] =	sst s0  }
0x18: {  	s0 =	sld [smem:$0x3F9C];
	_ =	swait.ge [sflag:s4], $0x0  }
0x19: {  	s7 =	sld [smem:$0x3F9D]  }
0x1a: {  	s8 =	sadd.s32 $0xFFFFE003, lr  }
0x1b: {  	s9 =	sadd.s32 $0xFFFFFEF7, lr;
	s5 =	simm.s32 $0xFFFFFFFF;
	p2 =	slt.u32 s8, $0xFFFFF086  }
0x1c: {  	p1 =	slt.u32 s9, $0xF7A;
	s5 =	simm.s32 @!p2 $0x0  }
0x1d: {  	s5 =	simm.s32 @p1 $0x1;
	p0 =	seq.s32 s7, s2  }
0x1e: {  	s7 =	smul.u32 @!p0 $0xF7A, s2;
	p2 =	seq.s32 @!p0 s5, $0x0  }
0x1f: {  	s9 =	smul.u32 $0xF7A, s1;
	s8 =	simm.s32 @!p0 $0x1BF5;
	p2 =	por !p2, p0  }
0x20: {  	[sflag:s8] =	ssyncset.s32 @!p0 $0xFFFFF086;
	s6 =	sadd.s32 @!p0 s3, s7;
	s7 =	simm.s32 @!p0 $0x108  }
0x21: {  	s3 =	sadd.s32 s3, s9;
	s6 =	sadd.s32 @!p0 $0x88, s6;
	s7 =	simm.s32 @p2 $0x1082  }
0x22: {  	[simem:s7], [sflag:s8] =	dma.local @!p0 [hbm:s6], $0xF7A  }
0x23: {  	s9 =	sor.u32 $0xD0000000, s2;
	s6 =	simm.s32 $0x108;
	_ =	swait.ge @!p0 [sflag:s8], $0x0  }
0x24: {  	s3 =	sadd.s32 $0x88, s3;
	s6 =	simm.s32 @!p1 $0x1082;
	[sflag:s4] =	ssyncset.s32 $0xFFFFF086  }
0x25: {  	[simem:s6], [sflag:s4] =	dma.local [hbm:s3], $0xF7A  }
0x26: {  	[smem:$0x3F9D] =	sst s1;
	(tag) =	ssettag s2;
	_ =	strace s9  }
0x27: {  	s1 =	sld [smem:$0x3FAD]  }
0x28: {  	s2 =	sld [smem:$0x3FAE]  }
0x29: {  	s4 =	sld [smem:$0x3FB0]  }
0x2a: {  	p0 =	seq.s32 s5, $0x0;
	s5 =	sld [smem:$0x3FB1]  }
0x2b: {  	s6 =	sld [smem:$0x3FB2]  }
0x2c: {  	s7 =	sld [smem:$0x3FB3]  }
0x2d: {  	s3 =	simm.s32 $0x108;
	s8 =	sld [smem:$0x3FB4]  }
0x2e: {  	s3 =	simm.s32 @!p0 $0x1082;
	s9 =	sld [smem:$0x3FB5]  }
0x2f: {  	lr =	sadd.s32 s0, s3;
	s0 =	sld [smem:$0x3FAC]  }
0x30: {  	s3 =	sld [smem:$0x3FAF]  }
0x31: {  	[smem:$0x3FB8] =	sst s10  }
0x32: {  	s10 =	sld [smem:$0x3FB6];
	_ =	sdelay $0x3  }
0x33: {  	p0 =	seq.s32 s10, $0x1;
	s10 =	sld [smem:$0x3FB8];
	_ =	sdelay $0x3  }
0x34: {  	[smem:$0x3FB8] =	sst s10  }
0x35: {  	s10 =	sld [smem:$0x3FB7];
	_ =	sdelay $0x3  }
0x36: {  	p1 =	seq.s32 s10, $0x1;
	s10 =	sld [smem:$0x3FB8];
	_ =	sdelay $0x3  }
0x37: {  	[smem:$0x3FB8] =	sst s10  }
0x38: {  	s10 =	sld [smem:$0x3FB9]  }
0x39: {  	_ = 	snop;
	(pc) =	sbr.ind lr, $3  }
0x3a: {  	_ = 	snop  }
0x3b: {  	_ = 	snop  }
0x3c: {  	p2 =	seq.s32 s10, $0x1;
	s10 =	sld [smem:$0x3FB8]  }
0x3d: {  	_ =	shalt  }
0x3e: {  	_ =	shalt  }
0x3f: {  	_ =	shalt  }
0x40: {  	_ =	shalt  }
0x41: {  	_ =	shalt  }
0x42: {  	_ =	shalt  }
0x43: {  	_ =	shalt  }
0x44: {  	_ =	shalt  }
0x45: {  	_ =	shalt  }
0x46: {  	_ =	shalt  }
0x47: {  	_ =	shalt  }
0x48: {  	_ =	shalt  }
0x49: {  	_ =	shalt  }
0x4a: {  	_ =	shalt  }
0x4b: {  	_ =	shalt  }
0x4c: {  	_ =	shalt  }
0x4d: {  	_ =	shalt  }
0x4e: {  	_ =	shalt  }
0x4f: {  	_ =	shalt  }
0x50: {  	_ =	shalt  }
0x51: {  	_ =	shalt  }
0x52: {  	_ =	shalt  }
0x53: {  	_ =	shalt  }
0x54: {  	_ =	shalt  }
0x55: {  	_ =	shalt  }
0x56: {  	_ =	shalt  }
0x57: {  	_ =	shalt  }
0x58: {  	_ =	shalt  }
0x59: {  	_ =	shalt  }
0x5a: {  	_ =	shalt  }
0x5b: {  	_ =	shalt  }
0x5c: {  	_ =	shalt  }
0x5d: {  	_ =	shalt  }
0x5e: {  	_ =	shalt  }
0x5f: {  	_ =	shalt  }
0x60: {  	_ =	shalt  }
0x61: {  	_ =	shalt  }
0x62: {  	_ =	shalt  }
0x63: {  	_ =	shalt  }
0x64: {  	_ =	shalt  }
0x65: {  	_ =	shalt  }
0x66: {  	_ =	shalt  }
0x67: {  	_ =	shalt  }
0x68: {  	_ =	shalt  }
0x69: {  	_ =	shalt  }
0x6a: {  	_ =	shalt  }
0x6b: {  	_ =	shalt  }
0x6c: {  	_ =	shalt  }
0x6d: {  	_ =	shalt  }
0x6e: {  	_ =	shalt  }
0x6f: {  	_ =	shalt  }
0x70: {  	_ =	shalt  }
0x71: {  	_ =	shalt  }
0x72: {  	_ =	shalt  }
0x73: {  	_ =	shalt  }
0x74: {  	_ =	shalt  }
0x75: {  	_ =	shalt  }
0x76: {  	_ =	shalt  }
0x77: {  	_ =	shalt  }
0x78: {  	_ =	shalt  }
0x79: {  	_ =	shalt  }
0x7a: {  	_ =	shalt  }
0x7b: {  	_ =	shalt  }
0x7c: {  	_ =	shalt  }
0x7d: {  	_ =	shalt  }
0x7e: {  	_ =	shalt  }
0x7f: {  	_ =	shalt  }
0x80: {  	_ =	shalt  }
0x81: {  	_ =	shalt  }
0x82: {  	_ =	shalt  }
0x83: {  	_ =	shalt  }
0x84: {  	_ =	shalt  }
0x85: {  	_ =	shalt  }
0x86: {  	_ =	shalt  }
0x87: {  	_ =	shalt  }
.Lfunc_end0:
.L_simem_size_0:
called_computation_lowered:
.L_overlay_start_0:
0x88: {  	s2 =	sld [smem:$0x3FD9]  }
0x89: {  	s3 =	sld [smem:$0x3FFE];
	_ =	sdelay $0x1  }
0x8a: {  	s1 =	srdreg.scid  }
0x8b: {  	s0 =	sand.u32 $0x1, s1  }
0x8c: {  	s17 =	sshll.u32 s0, $0xA;
	s2 =	sadd.s32 s3, s2  }
0x8d: {  	s2 =	sadd.s32 s2, s17  }
0x8e: {  	[smem:$0x3FC4] =	sst s2  }
0x8f: {  	_ = 	snop  }
0x90: {  	s2 =	sld [smem:$0x3FD0];
	(tm) =	ssettm $0x1  }
0x91: {  	s18 =	sld [smem:$0x3FFB];
	_ =	sdelay $0x3  }
0x92: {  	_ =	strace s18  }
0x93: {  	s3 =	sld [smem:$0x3FFC];
	_ =	sdelay $0x3  }
0x94: {  	_ =	strace s3  }
0x95: {  	s3 =	sld [smem:$0x3FFD];
	_ =	sdelay $0x3  }
0x96: {  	_ =	strace s3  }
0x97: {  	_ =	strace $0x8FFFFFFF  }
0x98: {  	s19 =	sld [smem:$0x3FDB];
	_ =	sdelay $0x1  }
0x99: {  	s4 =	simm.s32 $_scs_section_size  }
0x9a: {  	s5 =	simm.s32 $_size__tile_overlayer_lowered;
	s6 =	simm.s32 $_tile_overlayer_lowered  }
0x9b: {  	s22 =	simm.s32 $0x1BFF;
	s21 =	sshll.u32 s6, $0x1;
	s3 =	sadd.s32 s4, s19  }
0x9c: {  	s7 =	simm.s32 $0x0;
	s20 =	sshll.u32 s5, $0x1;
	s5 =	sadd.s32 s21, s3  }
0x9d: {  	[timem:s7], [sflag:s22] =	dma.local [hbm:s5], s20  }
0x9e: {  	_ =	swait.ge [sflag:s22], s20  }
0x9f: {  	s4 =	ssub.s32 $0x0, s20;
	[sflag:s22] =	ssyncset.done $0x0  }
0xa0: {  	[sflag:s22] =	ssyncadd.s32 s4;
	_ =	sdelay $0x1  }
0xa1: {  	s23 =	simm.s32 $0x1B8B  }
0xa2: {  	_ =	swait.ge [sflag:s23], $0x1  }
0xa3: {  	[sflag:s23] =	ssyncset.done $0x0  }
0xa4: {  	s25 =	simm.s32 $0x1B8E;
	s24 =	sld [smem:$0x3FFE];
	[sflag:s23] =	ssyncadd.s32 $0xFFFFFFFF  }
0xa5: {  	s26 =	simm.s32 $execute0_lowered;
	[smem:$0x3FD2] =	sst s25  }
0xa6: {  	s5 =	sshll.u32 s26, $0x1;
	_ =	strace $0x80000046;
	[dreg:$0x1] =	wrdreg $0xFFFFFFFF  }
0xa7: {  	s28 =	simm.s32 $_size_execute0_lowered;
	s3 =	sadd.s32 s3, s5;
	[dreg:$0x0] =	wrdreg $0x0  }
0xa8: {  	s5 =	sshll.u32 s28, $0x1;
	[dreg:$0x2] =	wrdreg s3  }
0xa9: {  	[dreg:$0x3] =	wrdreg s5  }
0xaa: {  	[dreg:$0x4] =	wrdreg $0xC0  }
0xab: {  	_ =	task [dreg:s7], $0x5FFFF  }
0xac: {  	[dreg:$0x1] =	wrdreg $0xFFFFFFFF  }
0xad: {  	[dreg:$0x0] =	wrdreg $0x60  }
0xae: {  	[dreg:$0x2] =	wrdreg s2  }
0xaf: {  	[dreg:$0x3] =	wrdreg s24  }
0xb0: {  	[dreg:$0x4] =	wrdreg $0x9  }
0xb1: {  	_ =	task.clear_ibuf [dreg:s7], $0x5FFFF;
	_ =	strace $0x90000046  }
0xb2: {  	s29 =	simm.s32 $0x9;
	_ =	strace $0x80000048  }
0xb3: {  	_ =	swait.ge [sflag:s29], $0x1  }
0xb4: {  	[sflag:s29] =	ssyncadd.s32 $0xFFFFFFFF  }
0xb5: {  	_ =	strace $0x90000048  }
0xb6: {  	_ =	sfence  }
0xb7: {  	s30 =	sld [smem:$0x0];
	_ =	sdelay $0x2  }
0xb8: {  	s31 =	sshll.u32 s1, $0xD;
	s1 =	sshrl.u32 s1, $0x2  }
0xb9: {  	s3 =	sand.u32 $0x4000, s31;
	s1 =	sadd.s32 s1, s30  }
0xba: {  	s0 =	sor.u32 s3, s0;
	s1 =	sshll.u32 s1, $0x11  }
0xbb: {  	s0 =	sor.u32 s1, s0  }
0xbc: {  	s0 =	sadd.s32 $0x8F2B, s0  }
0xbd: {  	[sflag:s0] =	ssyncadd.remote.s32 $0x1  }
0xbe: {  	_ =	sfence.sel $0xFFFF  }
0xbf: {  	[dreg:$0x0] =	wrdreg $0xFFFFFFFF;
	(pc) =	sbr.abs _section_cstart, $3  }
0xc0: {  	[dreg:$0x1] =	wrdreg $0xFFFFFFFF  }
0xc1: {  	_ =	task.clear_ibuf [dreg:s7], $0x2FFFF;
	_ =	strace $0x9FFFFFFF  }
0xc2: {  	(tm) =	ssettm $0x7FFFFFFF  }
0xc3: {  	_ =	shalt  }
tec
execute0_lowered:
.L_overlay_start_1:
0x0: {  	(tag) =	ssettag $0x1  }
0x1: {  	s2 =	rddreg [dreg:$0x0]  }
0x2: {  	s4 =	rddreg [dreg:$0x1]  }
0x3: {  	s0 =	rddreg [dreg:$0x2]  }
0x4: {  	s1 =	stileid.u32;
	s6 =	srdreg.scid  }
0x5: {  	s3 =	simm.s32 $0x0;
	s10 =	simm.s32 $0x1400;
	s11 =	simm.s32 $0x100  }
0x6: {  	s12 =	simm.s32 $0x2400;
	s13 =	simm.s32 $0x180;
	s14 =	simm.s32 $0x3400  }
0x7: {  	s15 =	simm.s32 $0x200;
	s16 =	simm.s32 $0x4400;
	s17 =	simm.s32 $0x280  }
0x8: {  	s18 =	simm.s32 $0x5400;
	s19 =	simm.s32 $0x300;
	s20 =	simm.s32 $0x6400  }
0x9: {  	s21 =	simm.s32 $0x380;
	s22 =	simm.s32 $0x7400;
	s5 =	smul.u32 $0x6400, s1  }
0xa: {  	s23 =	simm.s32 $0x1;
	s7 =	smul.u32 $0xC8000, s1;
	s6 =	sand.u32 $0x1, s6  }
0xb: {  	s24 =	simm.s32 $0x0;
	[smem:$0x7FF] =	sst s3;
	s8 =	smul.u32 $0x64000, s6  }
0xc: {  	_ =	strace $0x80000047;
	s9 =	ssub.s32 $0x2, s6;
	s6 =	smul.u32 $0x3200, s6  }
0xd: {  	s5 =	sadd.s32 s5, s4;
	s4 =	sadd.s32 s7, s4;
	s31 =	sshrl.u32 s9, $0x1  }
0xe: {  	s7 =	ssub.s32 s9, s31;
	s8 =	sadd.s32 s8, s4;
	s6 =	sadd.s32 s6, s5  }
0xf: {  	s9 =	simm.s32 $0x400;
	s4 =	smax.u32 s7, $0x1;
	s5 =	sadd.s32 $0x64400, s8  }
0x10: {  	s6 =	sadd.s32 $0x400, s6;
	s7 =	simm.s32 $0x2;
	s8 =	simm.s32 $0x80  }
.LBB2_1:
0x11: {  	s25 =	sadd.s32 $0x0, s6  }
0x12: {  	[tilespmem:s3], [sflag:$0x2] =	stream.linear.gather [hbm4b:s25+s3], $0x400, $0x38;
	[tilespmem:$0x8400] =	vst v63  }
0x13: {  	_ =	swait.ge [sflag:s7], $0x400  }
0x14: {  	[sflag:s7] =	ssyncset.done $0x0  }
0x15: {  	[sflag:s7] =	ssyncadd.s32 $0xFFFFFC00  }
0x16: {  	[tilespmem:s9], [sflag:$0x1] =	stream.indirect.gather [hbm4b:s2+s8], $0x20, s3, s8, $0xb8;
	[tilespmem:$0x8400] =	vst v63  }
0x17: {  	_ = 	snop  }
0x18: {  	[tilespmem:s10], [sflag:$0x1] =	stream.indirect.gather [hbm4b:s2+s8], $0x20, s8, s8, $0xb8;
	[tilespmem:$0x8400] =	vst v63  }
0x19: {  	_ = 	snop  }
0x1a: {  	[tilespmem:s12], [sflag:$0x1] =	stream.indirect.gather [hbm4b:s2+s8], $0x20, s11, s8, $0xb8;
	[tilespmem:$0x8400] =	vst v63  }
0x1b: {  	_ = 	snop  }
0x1c: {  	[tilespmem:s14], [sflag:$0x1] =	stream.indirect.gather [hbm4b:s2+s8], $0x20, s13, s8, $0xb8;
	[tilespmem:$0x8400] =	vst v63  }
0x1d: {  	_ = 	snop  }
0x1e: {  	[tilespmem:s16], [sflag:$0x1] =	stream.indirect.gather [hbm4b:s2+s8], $0x20, s15, s8, $0xb8;
	[tilespmem:$0x8400] =	vst v63  }
0x1f: {  	_ = 	snop  }
0x20: {  	[tilespmem:s18], [sflag:$0x1] =	stream.indirect.gather [hbm4b:s2+s8], $0x20, s17, s8, $0xb8;
	[tilespmem:$0x8400] =	vst v63  }
0x21: {  	_ = 	snop  }
0x22: {  	[tilespmem:s20], [sflag:$0x1] =	stream.indirect.gather [hbm4b:s2+s8], $0x20, s19, s8, $0xb8;
	[tilespmem:$0x8400] =	vst v63  }
0x23: {  	_ = 	snop  }
0x24: {  	[tilespmem:s22], [sflag:$0x1] =	stream.indirect.gather [hbm4b:s2+s8], $0x20, s21, s8, $0xb8;
	[tilespmem:$0x8400] =	vst v63  }
0x25: {  	_ =	swait.ge [sflag:s23], $0x1000  }
0x26: {  	[sflag:s23] =	ssyncset.done $0x0  }
0x27: {  	[sflag:s23] =	ssyncadd.s32 $0xFFFFF000  }
0x28: {  	_ =	swait.ge [sflag:s23], $0x1000  }
0x29: {  	[sflag:s23] =	ssyncset.done $0x0  }
0x2a: {  	[sflag:s23] =	ssyncadd.s32 $0xFFFFF000  }
0x2b: {  	_ =	swait.ge [sflag:s23], $0x1000  }
0x2c: {  	[sflag:s23] =	ssyncset.done $0x0  }
0x2d: {  	[sflag:s23] =	ssyncadd.s32 $0xFFFFF000  }
0x2e: {  	_ =	swait.ge [sflag:s23], $0x1000  }
0x2f: {  	[sflag:s23] =	ssyncset.done $0x0  }
0x30: {  	[sflag:s23] =	ssyncadd.s32 $0xFFFFF000  }
0x31: {  	_ =	swait.ge [sflag:s23], $0x1000  }
0x32: {  	[sflag:s23] =	ssyncset.done $0x0  }
0x33: {  	[sflag:s23] =	ssyncadd.s32 $0xFFFFF000  }
0x34: {  	_ =	swait.ge [sflag:s23], $0x1000  }
0x35: {  	[sflag:s23] =	ssyncset.done $0x0  }
0x36: {  	[sflag:s23] =	ssyncadd.s32 $0xFFFFF000  }
0x37: {  	_ =	swait.ge [sflag:s23], $0x1000  }
0x38: {  	[sflag:s23] =	ssyncset.done $0x0  }
0x39: {  	[sflag:s23] =	ssyncadd.s32 $0xFFFFF000  }
0x3a: {  	_ =	swait.ge [sflag:s23], $0x1000  }
0x3b: {  	[sflag:s23] =	ssyncset.done $0x0  }
0x3c: {  	[sflag:s23] =	ssyncadd.s32 $0xFFFFF000  }
0x3d: {  	[hbm4b:s5+s3] =	stream.linear.scatter [tilespmem:s9], [sflag:$0x2], $0x8000, $0x38;
	[tilespmem:$0x8400] =	vst v63  }
0x3e: {  	s26 =	simm.s32 $0x80;
	_ =	swait.ge [sflag:s7], $0x8000  }
0x3f: {  	s29 =	simm.s32 $0x100;
	s25 =	sadd.s32 $0x1000, s5;
	[sflag:s7] =	ssyncset.done $0x0  }
.LBB2_2:
0x40: {  	s30 =	sadd.s32 s26, s6  }
0x41: {  	[sflag:s7] =	ssyncadd.s32 $0xFFFF8000;
	s26 =	smov.u32 s29;
	s28 =	sadd.s32 $0x80, s29  }
0x42: {  	[tilespmem:s3], [sflag:$0x2] =	stream.linear.gather [hbm4b:s30+s3], $0x400, $0x38;
	[tilespmem:$0x8400] =	vst v63  }
0x43: {  	p0 =	sne.s32 s29, $0x3180;
	_ =	swait.ge [sflag:s7], $0x400  }
0x44: {  	[sflag:s7] =	ssyncset.done $0x0  }
0x45: {  	[sflag:s7] =	ssyncadd.s32 $0xFFFFFC00  }
0x46: {  	[tilespmem:s9], [sflag:$0x1] =	stream.indirect.gather [hbm4b:s2+s8], $0x20, s3, s8, $0xb8;
	[tilespmem:$0x8400] =	vst v63  }
0x47: {  	_ = 	snop  }
0x48: {  	[tilespmem:s10], [sflag:$0x1] =	stream.indirect.gather [hbm4b:s2+s8], $0x20, s8, s8, $0xb8;
	[tilespmem:$0x8400] =	vst v63  }
0x49: {  	_ = 	snop  }
0x4a: {  	[tilespmem:s12], [sflag:$0x1] =	stream.indirect.gather [hbm4b:s2+s8], $0x20, s11, s8, $0xb8;
	[tilespmem:$0x8400] =	vst v63  }
0x4b: {  	_ = 	snop  }
0x4c: {  	[tilespmem:s14], [sflag:$0x1] =	stream.indirect.gather [hbm4b:s2+s8], $0x20, s13, s8, $0xb8;
	[tilespmem:$0x8400] =	vst v63  }
0x4d: {  	_ = 	snop  }
0x4e: {  	[tilespmem:s16], [sflag:$0x1] =	stream.indirect.gather [hbm4b:s2+s8], $0x20, s15, s8, $0xb8;
	[tilespmem:$0x8400] =	vst v63  }
0x4f: {  	_ = 	snop  }
0x50: {  	[tilespmem:s18], [sflag:$0x1] =	stream.indirect.gather [hbm4b:s2+s8], $0x20, s17, s8, $0xb8;
	[tilespmem:$0x8400] =	vst v63  }
0x51: {  	_ = 	snop  }
0x52: {  	[tilespmem:s20], [sflag:$0x1] =	stream.indirect.gather [hbm4b:s2+s8], $0x20, s19, s8, $0xb8;
	[tilespmem:$0x8400] =	vst v63  }
0x53: {  	_ = 	snop  }
0x54: {  	[tilespmem:s22], [sflag:$0x1] =	stream.indirect.gather [hbm4b:s2+s8], $0x20, s21, s8, $0xb8;
	[tilespmem:$0x8400] =	vst v63  }
0x55: {  	_ =	swait.ge [sflag:s23], $0x1000  }
0x56: {  	[sflag:s23] =	ssyncset.done $0x0  }
0x57: {  	[sflag:s23] =	ssyncadd.s32 $0xFFFFF000  }
0x58: {  	_ =	swait.ge [sflag:s23], $0x1000  }
0x59: {  	[sflag:s23] =	ssyncset.done $0x0  }
0x5a: {  	[sflag:s23] =	ssyncadd.s32 $0xFFFFF000  }
0x5b: {  	_ =	swait.ge [sflag:s23], $0x1000  }
0x5c: {  	[sflag:s23] =	ssyncset.done $0x0  }
0x5d: {  	[sflag:s23] =	ssyncadd.s32 $0xFFFFF000  }
0x5e: {  	_ =	swait.ge [sflag:s23], $0x1000  }
0x5f: {  	[sflag:s23] =	ssyncset.done $0x0  }
0x60: {  	[sflag:s23] =	ssyncadd.s32 $0xFFFFF000  }
0x61: {  	_ =	swait.ge [sflag:s23], $0x1000  }
0x62: {  	[sflag:s23] =	ssyncset.done $0x0  }
0x63: {  	[sflag:s23] =	ssyncadd.s32 $0xFFFFF000  }
0x64: {  	_ =	swait.ge [sflag:s23], $0x1000  }
0x65: {  	[sflag:s23] =	ssyncset.done $0x0  }
0x66: {  	[sflag:s23] =	ssyncadd.s32 $0xFFFFF000  }
0x67: {  	_ =	swait.ge [sflag:s23], $0x1000  }
0x68: {  	[sflag:s23] =	ssyncset.done $0x0  }
0x69: {  	[sflag:s23] =	ssyncadd.s32 $0xFFFFF000  }
0x6a: {  	_ =	swait.ge [sflag:s23], $0x1000  }
.Ltmp0:
0x6b: {  	[sflag:s23] =	ssyncset.done $0x0;
	(pc) =	sbr.rel @p0 .LBB2_2-.Ltmp0, $4  }
0x6c: {  	[sflag:s23] =	ssyncadd.s32 $0xFFFFF000  }
0x6d: {  	[hbm4b:s25+s3] =	stream.linear.scatter [tilespmem:s9], [sflag:$0x2], $0x8000, $0x38;
	[tilespmem:$0x8400] =	vst v63  }
0x6e: {  	_ =	swait.ge [sflag:s7], $0x8000  }
0x6f: {  	s29 =	smov.u32 s28;
	s25 =	sadd.s32 $0x1000, s25;
	[sflag:s7] =	ssyncset.done $0x0  }
0x70: {  	s26 =	sadd.s32 s26, s6;
	[sflag:s7] =	ssyncadd.s32 $0xFFFF8000  }
0x71: {  	[tilespmem:s3], [sflag:$0x2] =	stream.linear.gather [hbm4b:s26+s3], $0x400, $0x38;
	[tilespmem:$0x8400] =	vst v63  }
0x72: {  	_ =	swait.ge [sflag:s7], $0x400  }
0x73: {  	[sflag:s7] =	ssyncset.done $0x0  }
0x74: {  	[sflag:s7] =	ssyncadd.s32 $0xFFFFFC00  }
0x75: {  	[tilespmem:s9], [sflag:$0x1] =	stream.indirect.gather [hbm4b:s2+s8], $0x20, s3, s8, $0xb8;
	[tilespmem:$0x8400] =	vst v63  }
0x76: {  	_ = 	snop  }
0x77: {  	[tilespmem:s10], [sflag:$0x1] =	stream.indirect.gather [hbm4b:s2+s8], $0x20, s8, s8, $0xb8;
	[tilespmem:$0x8400] =	vst v63  }
0x78: {  	_ = 	snop  }
0x79: {  	[tilespmem:s12], [sflag:$0x1] =	stream.indirect.gather [hbm4b:s2+s8], $0x20, s11, s8, $0xb8;
	[tilespmem:$0x8400] =	vst v63  }
0x7a: {  	_ = 	snop  }
0x7b: {  	[tilespmem:s14], [sflag:$0x1] =	stream.indirect.gather [hbm4b:s2+s8], $0x20, s13, s8, $0xb8;
	[tilespmem:$0x8400] =	vst v63  }
0x7c: {  	_ = 	snop  }
0x7d: {  	[tilespmem:s16], [sflag:$0x1] =	stream.indirect.gather [hbm4b:s2+s8], $0x20, s15, s8, $0xb8;
	[tilespmem:$0x8400] =	vst v63  }
0x7e: {  	_ = 	snop  }
0x7f: {  	[tilespmem:s18], [sflag:$0x1] =	stream.indirect.gather [hbm4b:s2+s8], $0x20, s17, s8, $0xb8;
	[tilespmem:$0x8400] =	vst v63  }
0x80: {  	_ = 	snop  }
0x81: {  	[tilespmem:s20], [sflag:$0x1] =	stream.indirect.gather [hbm4b:s2+s8], $0x20, s19, s8, $0xb8;
	[tilespmem:$0x8400] =	vst v63  }
0x82: {  	_ = 	snop  }
0x83: {  	[tilespmem:s22], [sflag:$0x1] =	stream.indirect.gather [hbm4b:s2+s8], $0x20, s21, s8, $0xb8;
	[tilespmem:$0x8400] =	vst v63  }
0x84: {  	_ =	swait.ge [sflag:s23], $0x1000  }
0x85: {  	[sflag:s23] =	ssyncset.done $0x0  }
0x86: {  	[sflag:s23] =	ssyncadd.s32 $0xFFFFF000  }
0x87: {  	_ =	swait.ge [sflag:s23], $0x1000  }
0x88: {  	[sflag:s23] =	ssyncset.done $0x0  }
0x89: {  	[sflag:s23] =	ssyncadd.s32 $0xFFFFF000  }
0x8a: {  	_ =	swait.ge [sflag:s23], $0x1000  }
0x8b: {  	[sflag:s23] =	ssyncset.done $0x0  }
0x8c: {  	[sflag:s23] =	ssyncadd.s32 $0xFFFFF000  }
0x8d: {  	_ =	swait.ge [sflag:s23], $0x1000  }
0x8e: {  	[sflag:s23] =	ssyncset.done $0x0  }
0x8f: {  	[sflag:s23] =	ssyncadd.s32 $0xFFFFF000  }
0x90: {  	_ =	swait.ge [sflag:s23], $0x1000  }
0x91: {  	[sflag:s23] =	ssyncset.done $0x0  }
0x92: {  	[sflag:s23] =	ssyncadd.s32 $0xFFFFF000  }
0x93: {  	_ =	swait.ge [sflag:s23], $0x1000  }
0x94: {  	[sflag:s23] =	ssyncset.done $0x0  }
0x95: {  	[sflag:s23] =	ssyncadd.s32 $0xFFFFF000  }
0x96: {  	_ =	swait.ge [sflag:s23], $0x1000  }
0x97: {  	[sflag:s23] =	ssyncset.done $0x0  }
0x98: {  	[sflag:s23] =	ssyncadd.s32 $0xFFFFF000  }
0x99: {  	s24 =	sadd.s32 $0x1, s24;
	_ =	swait.ge [sflag:s23], $0x1000  }
0x9a: {  	p0 =	sne.s32 s24, s4;
	[sflag:s23] =	ssyncset.done $0x0  }
.Ltmp1:
0x9b: {  	[sflag:s23] =	ssyncadd.s32 $0xFFFFF000;
	(pc) =	sbr.rel @p0 .LBB2_1-.Ltmp1, $4  }
0x9c: {  	[hbm4b:s25+s3] =	stream.linear.scatter [tilespmem:s9], [sflag:$0x2], $0x8000, $0x38;
	[tilespmem:$0x8400] =	vst v63  }
0x9d: {  	_ =	swait.ge [sflag:s7], $0x8000  }
0x9e: {  	[sflag:s7] =	ssyncset.done $0x0  }
0x9f: {  	[sflag:s7] =	ssyncadd.s32 $0xFFFF8000  }
0xa0: {  	_ =	sfence.sel $0x180000  }
0xa1: {  	[bflag:$0x0] =	sbarrier.arrive $0xFFFF  }
0xa2: {  	p0 =	sne.s32 s1, $0x0;
	_ =	strace $0x90000047  }
0xa3: {  	s0 =	sadd.s32 @!p0 $0x100000, s0;
	[bflag:$0x2] =	sbarrier.arrive $0xFFFF  }
0xa4: {  	[sflag:s0] =	ssyncadd.tile.s32 @!p0 $0x1;
	_ =	shalt  }
.Lfunc_end2:
_tile_overlayer_lowered:
.L_overlay_start_2:
0xa5: {  	(tag) =	ssettag $0x2  }
0xa6: {  	s0 =	rddreg [dreg:$0x0];
	s2 =	stileid.u32  }
0xa7: {  	s1 =	rddreg [dreg:$0x1];
	p0 =	sne.s32 s2, $0x0  }
0xa8: {  	s3 =	rddreg [dreg:$0x2];
	[bflag:$0x3] =	sbarrier.arrive $0xFFFF;
	s2 =	simm.s32 @!p0 $0x1C02  }
0xa9: {  	[timem:s3], [sflag:s2] =	dma.local @!p0 [hbm:s0], s1  }
0xaa: {  	s0 =	simm.s32 @!p0 $0x2  }
0xab: {  	_ =	swait.ge @!p0 [sflag:s0], s1  }
0xac: {  	s1 =	ssub.s32 @!p0 $0x0, s1;
	[sflag:s0] =	ssyncset.done @!p0 $0x0  }
0xad: {  	[sflag:s0] =	ssyncadd.s32 @!p0 s1  }
0xae: {  	[bflag:$0x3] =	sbarrier.arrive $0xFFFF  }
0xaf: {  	_ =	shalt  }

</sc_bundles>
